<compile_context>
chip_gen: v7x
topology: tpu7x:2x2x1
jax: 0.10.2.dev20260603
libtpu: 0.0.44.dev20260713+nightly
codegen_flags: <defaults>
</compile_context>

<pallas_src>
import functools

import jax
import jax.numpy as jnp
from jax import lax
from jax.experimental import pallas as pl
from jax.experimental.pallas import tpu as pltpu
from jax.experimental.pallas import tpu_sc as plsc

NC = 2
NS = 16
NW = NC * NS
LANES = 16
G = 64




def _gate_body(ea_ref, we_ref, be_ref, out_ref):
    out_ref[...] = jnp.maximum(
        jnp.dot(ea_ref[...], we_ref[...], preferred_element_type=jnp.float32)
        + be_ref[...], 0.0)


def _tc_gate(edge_attr, We, be2):
    E, DE = edge_attr.shape
    D = We.shape[1]
    BE = 1600
    return pl.pallas_call(
        _gate_body,
        grid=(E // BE,),
        in_specs=[
            pl.BlockSpec((BE, DE), lambda i: (i, 0)),
            pl.BlockSpec((DE, D), lambda i: (0, 0)),
            pl.BlockSpec((1, D), lambda i: (0, 0)),
        ],
        out_specs=pl.BlockSpec((BE, D), lambda i: (i, 0)),
        out_shape=jax.ShapeDtypeStruct((E, D), jnp.float32),
    )(edge_attr, We, be2)


def _proj2_body(x_ref, w_ref, wr_ref, b_ref, y_ref, xr_ref):
    xb = x_ref[...]
    y_ref[...] = jnp.dot(xb, w_ref[...], preferred_element_type=jnp.float32)
    xr_ref[...] = (
        jnp.dot(xb, wr_ref[...], preferred_element_type=jnp.float32)
        + b_ref[...])


def _tc_proj2(x, W, Wr, b2):
    N, D = x.shape
    BN = 1000
    return pl.pallas_call(
        _proj2_body,
        grid=(N // BN,),
        in_specs=[
            pl.BlockSpec((BN, D), lambda i: (i, 0)),
            pl.BlockSpec((D, D), lambda i: (0, 0)),
            pl.BlockSpec((D, D), lambda i: (0, 0)),
            pl.BlockSpec((1, D), lambda i: (0, 0)),
        ],
        out_specs=[
            pl.BlockSpec((BN, D), lambda i: (i, 0)),
            pl.BlockSpec((BN, D), lambda i: (i, 0)),
        ],
        out_shape=[
            jax.ShapeDtypeStruct((N, D), jnp.float32),
            jax.ShapeDtypeStruct((N, D), jnp.float32),
        ],
    )(x, W, Wr, b2)


def _combine_body(agg_ref, xr_ref, w_ref, wr_ref, b_ref, y_ref, hr_ref):
    h = jnp.maximum(agg_ref[0] + agg_ref[1] + xr_ref[...], 0.0)
    y_ref[...] = jnp.dot(h, w_ref[...], preferred_element_type=jnp.float32)
    hr_ref[...] = (
        jnp.dot(h, wr_ref[...], preferred_element_type=jnp.float32)
        + b_ref[...])


def _tc_combine(aggp, xr, W, Wr, b2):
    N, D = xr.shape
    BN = 1000
    return pl.pallas_call(
        _combine_body,
        grid=(N // BN,),
        in_specs=[
            pl.BlockSpec((NC, BN, D), lambda i: (0, i, 0)),
            pl.BlockSpec((BN, D), lambda i: (i, 0)),
            pl.BlockSpec((D, D), lambda i: (0, 0)),
            pl.BlockSpec((D, D), lambda i: (0, 0)),
            pl.BlockSpec((1, D), lambda i: (0, 0)),
        ],
        out_specs=[
            pl.BlockSpec((BN, D), lambda i: (i, 0)),
            pl.BlockSpec((BN, D), lambda i: (i, 0)),
        ],
        out_shape=[
            jax.ShapeDtypeStruct((N, D), jnp.float32),
            jax.ShapeDtypeStruct((N, D), jnp.float32),
        ],
    )(aggp, xr, W, Wr, b2)


def _final_body(agg_ref, hr_ref, batch_ref, wfc_ref, bfc_ref, out_ref,
                sums_ref, cnts_ref):
    i = pl.program_id(0)
    nb = pl.num_programs(0)

    @pl.when(i == 0)
    def _():
        sums_ref[...] = jnp.zeros_like(sums_ref)
        cnts_ref[...] = jnp.zeros_like(cnts_ref)

    h = jnp.maximum(agg_ref[0] + agg_ref[1] + hr_ref[...], 0.0)
    z = jnp.dot(h, wfc_ref[...], preferred_element_type=jnp.float32)
    gids = lax.broadcasted_iota(jnp.int32, (1, G), 1).astype(jnp.float32)
    mask = (batch_ref[...] == gids).astype(jnp.float32)
    sums_ref[...] += jnp.sum(mask * z, axis=0, keepdims=True)
    cnts_ref[...] += jnp.sum(mask, axis=0, keepdims=True)

    @pl.when(i == nb - 1)
    def _():
        out_ref[...] = (sums_ref[...] / jnp.maximum(cnts_ref[...], 1.0)
                        + bfc_ref[...])


def _tc_final(aggp, hr, batch_f, Wfc, bfc2):
    N, D = hr.shape
    BN = 1000
    return pl.pallas_call(
        _final_body,
        grid=(N // BN,),
        in_specs=[
            pl.BlockSpec((NC, BN, D), lambda i: (0, i, 0)),
            pl.BlockSpec((BN, D), lambda i: (i, 0)),
            pl.BlockSpec((BN, 1), lambda i: (i, 0)),
            pl.BlockSpec((D, 1), lambda i: (0, 0)),
            pl.BlockSpec((1, 1), lambda i: (0, 0)),
        ],
        out_specs=pl.BlockSpec((1, G), lambda i: (0, 0)),
        out_shape=jax.ShapeDtypeStruct((1, G), jnp.float32),
        scratch_shapes=[
            pltpu.VMEM((1, G), jnp.float32),
            pltpu.VMEM((1, G), jnp.float32),
        ],
    )(aggp, hr, batch_f, Wfc, bfc2)




def _make_sc_segsum(N, E, D, gated):
    EPW = E // NW
    C = 80
    NCH = EPW // C
    NP = ((N + 8 * NS - 1) // (8 * NS)) * (8 * NS)
    RPT = NP // NS
    mesh = plsc.VectorSubcoreMesh(
        core_axis_name="c", subcore_axis_name="s",
        num_cores=NC, num_subcores=NS)

    scratch = [
        pltpu.VMEM_SHARED((NP, D), jnp.float32),
        pltpu.VMEM((C,), jnp.int32),
        pltpu.VMEM((C,), jnp.int32),
        pltpu.VMEM((C, D), jnp.float32),
    ]
    if gated:
        scratch.append(pltpu.VMEM((C, D), jnp.float32))
    scratch.append(pltpu.SemaphoreType.DMA)

    def body(*refs):
        if gated:
            (y_hbm, src_hbm, dst_hbm, gate_hbm, zeros_hbm, out_hbm,
             accum, src_v, dst_v, rows_v, gate_v, sem) = refs
        else:
            (y_hbm, src_hbm, dst_hbm, zeros_hbm, out_hbm,
             accum, src_v, dst_v, rows_v, sem) = refs
        c = lax.axis_index("c")
        s = lax.axis_index("s")
        wid = c * NS + s
        pltpu.sync_copy(zeros_hbm, accum.at[pl.ds(s * RPT, RPT), :])
        plsc.subcore_barrier()
        base = wid * EPW

        def chunk(i, carry):
            off = base + i * C
            pltpu.sync_copy(src_hbm.at[pl.ds(off, C)], src_v)
            pltpu.sync_copy(dst_hbm.at[pl.ds(off, C)], dst_v)
            pltpu.async_copy(y_hbm.at[src_v], rows_v, sem).wait()
            if gated:
                pltpu.sync_copy(gate_hbm.at[pl.ds(off, C), :], gate_v)

                def mul_row(r, cc):
                    for k in range(D // LANES):
                        sl = pl.ds(k * LANES, LANES)
                        rows_v[r, sl] = rows_v[r, sl] * gate_v[r, sl]
                    return cc

                lax.fori_loop(0, C, mul_row, 0)
            pltpu.sync_copy(rows_v, accum.at[dst_v], add=True)
            return carry

        lax.fori_loop(0, NCH, chunk, 0)
        plsc.subcore_barrier()
        sl = pl.ds(s * RPT, RPT)
        pltpu.sync_copy(accum.at[sl, :], out_hbm.at[c, sl, :])

    return pl.kernel(
        body,
        out_type=jax.ShapeDtypeStruct((NC, NP, D), jnp.float32),
        mesh=mesh,
        scratch_types=scratch,
    )




def kernel(x, edge_index, edge_attr, batch, We, be, W1, Wr1, b1,
           W2, Wr2, b2, W3, Wr3, b3, Wfc, bfc):
    N, D = x.shape
    E = edge_index.shape[1]
    src = edge_index[0]
    dst = edge_index[1]
    NP = ((N + 8 * NS - 1) // (8 * NS)) * (8 * NS)
    zeros = jnp.zeros((NP // NS, D), jnp.float32)

    gate = _tc_gate(edge_attr, We, be.reshape(1, D))
    y1, xr1 = _tc_proj2(x, W1, Wr1, b1.reshape(1, D))
    agg1 = _make_sc_segsum(N, E, D, True)(y1, src, dst, gate, zeros)
    y2, hr2 = _tc_combine(agg1, xr1, W2, Wr2, b2.reshape(1, D))
    agg2 = _make_sc_segsum(N, E, D, False)(y2, src, dst, zeros)
    y3, hr3 = _tc_combine(agg2, hr2, W3, Wr3, b3.reshape(1, D))
    agg3 = _make_sc_segsum(N, E, D, False)(y3, src, dst, zeros)
    batch_f = batch.astype(jnp.float32).reshape(N, 1)
    out = _tc_final(agg3, hr3, batch_f, Wfc, bfc.reshape(1, 1))
    return out.reshape(G)

# --- scband reference (transcript-rebuilt; emitter-appended) ---
"""Pipeline reference for scband-downstream3-47854525612054 (READ-ONLY COPY).

The authoritative reference and input builder live on the scoring server;
editing this copy changes nothing except your own understanding.
"""

import jax, jax.numpy as jnp
import numpy as np

N = 10000   # nodes
E = 320000  # edges
D = 128     # hidden_channels / node feature dim
DE = 16     # edge feature dim
G = 64      # graphs in batch


def setup_inputs(seed: int = 0) -> dict:
    key = jax.random.key(seed)
    ks = jax.random.split(key, 20)
    x = jax.random.normal(ks[0], (N, D), dtype=jnp.float32)
    edge_index = jax.random.randint(ks[1], (2, E), 0, N, dtype=jnp.int32)
    edge_attr = jax.random.normal(ks[2], (E, DE), dtype=jnp.float32)
    batch = jnp.sort(jax.random.randint(ks[3], (N,), 0, G, dtype=jnp.int32))
    s = 0.05
    # edge_mlp params (maps edge_attr -> per-edge gate of width D)
    We = jax.random.normal(ks[4], (DE, D), dtype=jnp.float32) * s
    be = jnp.zeros((D,), dtype=jnp.float32)
    # conv1 (edge-conditioned), conv2, conv3 params
    W1 = jax.random.normal(ks[5], (D, D), dtype=jnp.float32) * s
    Wr1 = jax.random.normal(ks[6], (D, D), dtype=jnp.float32) * s
    b1 = jnp.zeros((D,), dtype=jnp.float32)
    W2 = jax.random.normal(ks[7], (D, D), dtype=jnp.float32) * s
    Wr2 = jax.random.normal(ks[8], (D, D), dtype=jnp.float32) * s
    b2 = jnp.zeros((D,), dtype=jnp.float32)
    W3 = jax.random.normal(ks[9], (D, D), dtype=jnp.float32) * s
    Wr3 = jax.random.normal(ks[10], (D, D), dtype=jnp.float32) * s
    b3 = jnp.zeros((D,), dtype=jnp.float32)
    # fc1 (binary head)
    Wfc = jax.random.normal(ks[11], (D, 1), dtype=jnp.float32) * s
    bfc = jnp.zeros((1,), dtype=jnp.float32)
    return {"x": x, "edge_index": edge_index, "edge_attr": edge_attr, "batch": batch,
            "We": We, "be": be, "W1": W1, "Wr1": Wr1, "b1": b1,
            "W2": W2, "Wr2": Wr2, "b2": b2, "W3": W3, "Wr3": Wr3, "b3": b3,
            "Wfc": Wfc, "bfc": bfc}


def reference(x, edge_index, edge_attr, batch, We, be, W1, Wr1, b1,
              W2, Wr2, b2, W3, Wr3, b3, Wfc, bfc):
    src = edge_index[0]
    dst = edge_index[1]
    # conv1: edge-conditioned message passing (edge_mlp gates messages)
    gate = jax.nn.relu(edge_attr @ We + be)              # [E, D]
    msg = (x[src] @ W1) * gate                            # gather + matmul + gate
    agg = jax.ops.segment_sum(msg, dst, num_segments=N)   # scatter-add
    h = jax.nn.relu(agg + x @ Wr1 + b1)
    # conv2
    msg = h[src] @ W2
    agg = jax.ops.segment_sum(msg, dst, num_segments=N)
    h = jax.nn.relu(agg + h @ Wr2 + b2)
    # conv3
    msg = h[src] @ W3
    agg = jax.ops.segment_sum(msg, dst, num_segments=N)
    h = jax.nn.relu(agg + h @ Wr3 + b3)
    # global_mean_pool over graph ids
    counts = jax.ops.segment_sum(jnp.ones((N,), jnp.float32), batch, num_segments=G)
    counts = jnp.maximum(counts, 1.0)
    pooled = jax.ops.segment_sum(h, batch, num_segments=G) / counts[:, None]
    # fc1 (classify='binary', head='linear') -> squeeze(1)
    out = pooled @ Wfc + bfc
    return out.squeeze(1)

if __name__ == "__main__":
    import jax
    _d = setup_inputs()
    print(jax.jit(kernel)(*tuple(_d.values())))

</pallas_src>

<mosaic_0001>
#map = affine_map<(d0, d1) -> (0, 0)>
#map1 = affine_map<(d0, d1) -> (0)>
#map2 = affine_map<(d0, d1) -> (0, 0, 0)>
module attributes {stable_mosaic.version = 14 : i64} {
  func.func @body(%arg0: i32, %arg1: i32, %arg2: memref<10000x128xf32, #tpu.memory_space<hbm>>, %arg3: memref<320000xi32, #tpu.memory_space<hbm>>, %arg4: memref<320000xi32, #tpu.memory_space<hbm>>, %arg5: memref<320000x128xf32, #tpu.memory_space<hbm>>, %arg6: memref<632x128xf32, #tpu.memory_space<hbm>>, %arg7: memref<2x10112x128xf32, #tpu.memory_space<hbm>>, %arg8: memref<10112x128xf32, #tpu.memory_space<vmem_shared>>, %arg9: memref<80xi32, #tpu.memory_space<vmem>>, %arg10: memref<80xi32, #tpu.memory_space<vmem>>, %arg11: memref<80x128xf32, #tpu.memory_space<vmem>>, %arg12: memref<80x128xf32, #tpu.memory_space<vmem>>, %arg13: memref<!tpu.dma_semaphore, #tpu.memory_space<semaphore_mem>>) attributes {dimension_semantics = [#tpu.dimension_semantics<core_parallel>, #tpu.dimension_semantics<subcore_parallel>], iteration_bounds = array<i64: 2, 16>, scalar_prefetch = 0 : i64, scratch_operands = 6 : i64, tpu.core_type = #tpu.core_type<sc_vector_subcore>, window_params = [{transform_indices = #map}, {transform_indices = #map1}, {transform_indices = #map1}, {transform_indices = #map}, {transform_indices = #map}, {transform_indices = #map2}]} {
    %mul3A = arith.constant 16 : i32
    %mul3A_0 = arith.muli %arg0, %mul3A : i32
    %add3A = arith.addi %mul3A_0, %arg1 : i32
    %mul3A_1 = arith.constant 632 : i32
    %mul3A_2 = arith.muli %arg1, %mul3A_1 : i32
    "tpu.region"() ({
      %run_scoped3A = tpu.sem_alloc : memref<!tpu.dma_semaphore, #tpu.memory_space<semaphore_mem>>
      %dma_start3A = arith.constant 0 : i32
      %dma_start3A_13 = tpu.memref_slice %arg8[%mul3A_2, %dma_start3A] : memref<10112x128xf32, #tpu.memory_space<vmem_shared>> -> memref<632x128xf32, #tpu.memory_space<vmem_shared>>
      tpu.enqueue_dma source(%arg6 : memref<632x128xf32, #tpu.memory_space<hbm>>) target(%dma_start3A_13 : memref<632x128xf32, #tpu.memory_space<vmem_shared>>) target_semaphore(%run_scoped3A : memref<!tpu.dma_semaphore, #tpu.memory_space<semaphore_mem>>)
      %dma_wait3A = arith.constant 0 : i32
      %dma_wait3A_14 = tpu.memref_slice %arg8[%mul3A_2, %dma_wait3A] : memref<10112x128xf32, #tpu.memory_space<vmem_shared>> -> memref<632x128xf32, #tpu.memory_space<vmem_shared>>
      tpu.wait_dma2 semaphore(%run_scoped3A : memref<!tpu.dma_semaphore, #tpu.memory_space<semaphore_mem>>) src(%arg6 : memref<632x128xf32, #tpu.memory_space<hbm>>) dst(%dma_wait3A_14 : memref<632x128xf32, #tpu.memory_space<vmem_shared>>)
      tpu.yield
    }) : () -> ()
    %barrier3A = arith.constant 0 : index
    tpu.barrier barrier_id(%barrier3A)
    %mul3A_3 = arith.constant 10000 : i32
    %mul3A_4 = arith.muli %add3A, %mul3A_3 : i32
    %scan3A = arith.constant 0 : i32
    %scan3A_5 = arith.constant 0 : i32
    %scan3A_6 = arith.constant 125 : i32
    %scan3A_7 = arith.addi %scan3A_5, %scan3A_6 : i32
    %scan3A_8 = arith.constant 1 : i32
    scf.for %scan3A_13 = %scan3A_5 to %scan3A_7 step %scan3A_8  : i32 {
      %mul3A_14 = arith.constant 80 : i32
      %mul3A_15 = arith.muli %scan3A_13, %mul3A_14 : i32
      %add3A_16 = arith.addi %mul3A_4, %mul3A_15 : i32
      "tpu.region"() ({
        %run_scoped3A = tpu.sem_alloc : memref<!tpu.dma_semaphore, #tpu.memory_space<semaphore_mem>>
        %dma_start3A_27 = tpu.memref_slice %arg3[%add3A_16] : memref<320000xi32, #tpu.memory_space<hbm>> -> memref<80xi32, #tpu.memory_space<hbm>>
        %dma_start3A_28 = tpu.memref_slice %arg3[%add3A_16] : memref<320000xi32, #tpu.memory_space<hbm>> -> memref<80xi32, #tpu.memory_space<hbm>>
        tpu.enqueue_dma source(%dma_start3A_28 : memref<80xi32, #tpu.memory_space<hbm>>) target(%arg9 : memref<80xi32, #tpu.memory_space<vmem>>) target_semaphore(%run_scoped3A : memref<!tpu.dma_semaphore, #tpu.memory_space<semaphore_mem>>)
        %dma_wait3A_29 = tpu.memref_slice %arg3[%add3A_16] : memref<320000xi32, #tpu.memory_space<hbm>> -> memref<80xi32, #tpu.memory_space<hbm>>
        %dma_wait3A_30 = tpu.memref_slice %arg3[%add3A_16] : memref<320000xi32, #tpu.memory_space<hbm>> -> memref<80xi32, #tpu.memory_space<hbm>>
        tpu.wait_dma2 semaphore(%run_scoped3A : memref<!tpu.dma_semaphore, #tpu.memory_space<semaphore_mem>>) src(%dma_wait3A_30 : memref<80xi32, #tpu.memory_space<hbm>>) dst(%arg9 : memref<80xi32, #tpu.memory_space<vmem>>)
        tpu.yield
      }) : () -> ()
      "tpu.region"() ({
        %run_scoped3A = tpu.sem_alloc : memref<!tpu.dma_semaphore, #tpu.memory_space<semaphore_mem>>
        %dma_start3A_27 = tpu.memref_slice %arg4[%add3A_16] : memref<320000xi32, #tpu.memory_space<hbm>> -> memref<80xi32, #tpu.memory_space<hbm>>
        %dma_start3A_28 = tpu.memref_slice %arg4[%add3A_16] : memref<320000xi32, #tpu.memory_space<hbm>> -> memref<80xi32, #tpu.memory_space<hbm>>
        tpu.enqueue_dma source(%dma_start3A_28 : memref<80xi32, #tpu.memory_space<hbm>>) target(%arg10 : memref<80xi32, #tpu.memory_space<vmem>>) target_semaphore(%run_scoped3A : memref<!tpu.dma_semaphore, #tpu.memory_space<semaphore_mem>>)
        %dma_wait3A_29 = tpu.memref_slice %arg4[%add3A_16] : memref<320000xi32, #tpu.memory_space<hbm>> -> memref<80xi32, #tpu.memory_space<hbm>>
        %dma_wait3A_30 = tpu.memref_slice %arg4[%add3A_16] : memref<320000xi32, #tpu.memory_space<hbm>> -> memref<80xi32, #tpu.memory_space<hbm>>
        tpu.wait_dma2 semaphore(%run_scoped3A : memref<!tpu.dma_semaphore, #tpu.memory_space<semaphore_mem>>) src(%dma_wait3A_30 : memref<80xi32, #tpu.memory_space<hbm>>) dst(%arg10 : memref<80xi32, #tpu.memory_space<vmem>>)
        tpu.yield
      }) : () -> ()
      %dma_start3A = arith.constant 0 : i32
      %dma_start3A_17 = arith.constant 0 : i32
      %dma_start3A_18 = tpu.memref_slice %arg2[%dma_start3A, %dma_start3A_17] : memref<10000x128xf32, #tpu.memory_space<hbm>> -> memref<10000x128xf32, #tpu.memory_space<hbm>>
      tpu.enqueue_indirect_dma source(%dma_start3A_18 : memref<10000x128xf32, #tpu.memory_space<hbm>>) target(%arg11 : memref<80x128xf32, #tpu.memory_space<vmem>>) offsets(%arg9 : memref<80xi32, #tpu.memory_space<vmem>>) semaphore(%arg13 : memref<!tpu.dma_semaphore, #tpu.memory_space<semaphore_mem>>)
      %dma_wait3A = arith.constant 0 : i32
      %dma_wait3A_19 = arith.constant 0 : i32
      %dma_wait3A_20 = tpu.memref_slice %arg2[%dma_wait3A, %dma_wait3A_19] : memref<10000x128xf32, #tpu.memory_space<hbm>> -> memref<10000x128xf32, #tpu.memory_space<hbm>>
      tpu.wait_indirect_dma semaphore(%arg13 : memref<!tpu.dma_semaphore, #tpu.memory_space<semaphore_mem>>) src(%dma_wait3A_20 : memref<10000x128xf32, #tpu.memory_space<hbm>>) dst(%arg11 : memref<80x128xf32, #tpu.memory_space<vmem>>)
      "tpu.region"() ({
        %run_scoped3A = tpu.sem_alloc : memref<!tpu.dma_semaphore, #tpu.memory_space<semaphore_mem>>
        %dma_start3A_27 = arith.constant 0 : i32
        %dma_start3A_28 = tpu.memref_slice %arg5[%add3A_16, %dma_start3A_27] : memref<320000x128xf32, #tpu.memory_space<hbm>> -> memref<80x128xf32, #tpu.memory_space<hbm>>
        %dma_start3A_29 = arith.constant 0 : i32
        %dma_start3A_30 = tpu.memref_slice %arg5[%add3A_16, %dma_start3A_29] : memref<320000x128xf32, #tpu.memory_space<hbm>> -> memref<80x128xf32, #tpu.memory_space<hbm>>
        tpu.enqueue_dma source(%dma_start3A_30 : memref<80x128xf32, #tpu.memory_space<hbm>>) target(%arg12 : memref<80x128xf32, #tpu.memory_space<vmem>>) target_semaphore(%run_scoped3A : memref<!tpu.dma_semaphore, #tpu.memory_space<semaphore_mem>>)
        %dma_wait3A_31 = arith.constant 0 : i32
        %dma_wait3A_32 = tpu.memref_slice %arg5[%add3A_16, %dma_wait3A_31] : memref<320000x128xf32, #tpu.memory_space<hbm>> -> memref<80x128xf32, #tpu.memory_space<hbm>>
        %dma_wait3A_33 = arith.constant 0 : i32
        %dma_wait3A_34 = tpu.memref_slice %arg5[%add3A_16, %dma_wait3A_33] : memref<320000x128xf32, #tpu.memory_space<hbm>> -> memref<80x128xf32, #tpu.memory_space<hbm>>
        tpu.wait_dma2 semaphore(%run_scoped3A : memref<!tpu.dma_semaphore, #tpu.memory_space<semaphore_mem>>) src(%dma_wait3A_34 : memref<80x128xf32, #tpu.memory_space<hbm>>) dst(%arg12 : memref<80x128xf32, #tpu.memory_space<vmem>>)
        tpu.yield
      }) : () -> ()
      %scan3A_21 = arith.constant 0 : i32
      %scan3A_22 = arith.constant 0 : i32
      %scan3A_23 = arith.constant 80 : i32
      %scan3A_24 = arith.addi %scan3A_22, %scan3A_23 : i32
      %scan3A_25 = arith.constant 1 : i32
      scf.for %scan3A_27 = %scan3A_22 to %scan3A_24 step %scan3A_25  : i32 {
        %get3A = arith.index_cast %scan3A_27 : i32 to index
        %get3A_28 = arith.constant 0 : index
        %get3A_29 = tpu.vector_load %arg11[%get3A, %get3A_28] {strides = array<i32>} : memref<80x128xf32, #tpu.memory_space<vmem>>, vector<1x16xf32>,
        %get3A_30 = vector.shape_cast %get3A_29 : vector<1x16xf32> to vector<16xf32>
        %get3A_31 = arith.index_cast %scan3A_27 : i32 to index
        %get3A_32 = arith.constant 0 : index
        %get3A_33 = tpu.vector_load %arg12[%get3A_31, %get3A_32] {strides = array<i32>} : memref<80x128xf32, #tpu.memory_space<vmem>>, vector<1x16xf32>,
        %get3A_34 = vector.shape_cast %get3A_33 : vector<1x16xf32> to vector<16xf32>
        %mul3A_35 = arith.mulf %get3A_30, %get3A_34 : vector<16xf32>
        %swap3A = arith.index_cast %scan3A_27 : i32 to index
        %swap3A_36 = arith.constant 0 : index
        %swap3A_37 = tpu.vector_load %arg11[%swap3A, %swap3A_36] {strides = array<i32>} : memref<80x128xf32, #tpu.memory_space<vmem>>, vector<1x16xf32>,
        %swap3A_38 = vector.shape_cast %swap3A_37 : vector<1x16xf32> to vector<16xf32>
        %swap3A_39 = vector.shape_cast %mul3A_35 : vector<16xf32> to vector<1x16xf32>
        tpu.vector_store %arg11[%swap3A, %swap3A_36], %swap3A_39 {strides = array<i32>} : memref<80x128xf32, #tpu.memory_space<vmem>>, vector<1x16xf32>,
        %get3A_40 = arith.index_cast %scan3A_27 : i32 to index
        %get3A_41 = arith.constant 16 : index
        %get3A_42 = tpu.vector_load %arg11[%get3A_40, %get3A_41] {strides = array<i32>} : memref<80x128xf32, #tpu.memory_space<vmem>>, vector<1x16xf32>,
        %get3A_43 = vector.shape_cast %get3A_42 : vector<1x16xf32> to vector<16xf32>
        %get3A_44 = arith.index_cast %scan3A_27 : i32 to index
        %get3A_45 = arith.constant 16 : index
        %get3A_46 = tpu.vector_load %arg12[%get3A_44, %get3A_45] {strides = array<i32>} : memref<80x128xf32, #tpu.memory_space<vmem>>, vector<1x16xf32>,
        %get3A_47 = vector.shape_cast %get3A_46 : vector<1x16xf32> to vector<16xf32>
        %mul3A_48 = arith.mulf %get3A_43, %get3A_47 : vector<16xf32>
        %swap3A_49 = arith.index_cast %scan3A_27 : i32 to index
        %swap3A_50 = arith.constant 16 : index
        %swap3A_51 = tpu.vector_load %arg11[%swap3A_49, %swap3A_50] {strides = array<i32>} : memref<80x128xf32, #tpu.memory_space<vmem>>, vector<1x16xf32>,
        %swap3A_52 = vector.shape_cast %swap3A_51 : vector<1x16xf32> to vector<16xf32>
        %swap3A_53 = vector.shape_cast %mul3A_48 : vector<16xf32> to vector<1x16xf32>
        tpu.vector_store %arg11[%swap3A_49, %swap3A_50], %swap3A_53 {strides = array<i32>} : memref<80x128xf32, #tpu.memory_space<vmem>>, vector<1x16xf32>,
        %get3A_54 = arith.index_cast %scan3A_27 : i32 to index
        %get3A_55 = arith.constant 32 : index
        %get3A_56 = tpu.vector_load %arg11[%get3A_54, %get3A_55] {strides = array<i32>} : memref<80x128xf32, #tpu.memory_space<vmem>>, vector<1x16xf32>,
        %get3A_57 = vector.shape_cast %get3A_56 : vector<1x16xf32> to vector<16xf32>
        %get3A_58 = arith.index_cast %scan3A_27 : i32 to index
        %get3A_59 = arith.constant 32 : index
        %get3A_60 = tpu.vector_load %arg12[%get3A_58, %get3A_59] {strides = array<i32>} : memref<80x128xf32, #tpu.memory_space<vmem>>, vector<1x16xf32>,
        %get3A_61 = vector.shape_cast %get3A_60 : vector<1x16xf32> to vector<16xf32>
        %mul3A_62 = arith.mulf %get3A_57, %get3A_61 : vector<16xf32>
        %swap3A_63 = arith.index_cast %scan3A_27 : i32 to index
        %swap3A_64 = arith.constant 32 : index
        %swap3A_65 = tpu.vector_load %arg11[%swap3A_63, %swap3A_64] {strides = array<i32>} : memref<80x128xf32, #tpu.memory_space<vmem>>, vector<1x16xf32>,
        %swap3A_66 = vector.shape_cast %swap3A_65 : vector<1x16xf32> to vector<16xf32>
        %swap3A_67 = vector.shape_cast %mul3A_62 : vector<16xf32> to vector<1x16xf32>
        tpu.vector_store %arg11[%swap3A_63, %swap3A_64], %swap3A_67 {strides = array<i32>} : memref<80x128xf32, #tpu.memory_space<vmem>>, vector<1x16xf32>,
        %get3A_68 = arith.index_cast %scan3A_27 : i32 to index
        %get3A_69 = arith.constant 48 : index
        %get3A_70 = tpu.vector_load %arg11[%get3A_68, %get3A_69] {strides = array<i32>} : memref<80x128xf32, #tpu.memory_space<vmem>>, vector<1x16xf32>,
        %get3A_71 = vector.shape_cast %get3A_70 : vector<1x16xf32> to vector<16xf32>
        %get3A_72 = arith.index_cast %scan3A_27 : i32 to index
        %get3A_73 = arith.constant 48 : index
        %get3A_74 = tpu.vector_load %arg12[%get3A_72, %get3A_73] {strides = array<i32>} : memref<80x128xf32, #tpu.memory_space<vmem>>, vector<1x16xf32>,
        %get3A_75 = vector.shape_cast %get3A_74 : vector<1x16xf32> to vector<16xf32>
        %mul3A_76 = arith.mulf %get3A_71, %get3A_75 : vector<16xf32>
        %swap3A_77 = arith.index_cast %scan3A_27 : i32 to index
        %swap3A_78 = arith.constant 48 : index
        %swap3A_79 = tpu.vector_load %arg11[%swap3A_77, %swap3A_78] {strides = array<i32>} : memref<80x128xf32, #tpu.memory_space<vmem>>, vector<1x16xf32>,
        %swap3A_80 = vector.shape_cast %swap3A_79 : vector<1x16xf32> to vector<16xf32>
        %swap3A_81 = vector.shape_cast %mul3A_76 : vector<16xf32> to vector<1x16xf32>
        tpu.vector_store %arg11[%swap3A_77, %swap3A_78], %swap3A_81 {strides = array<i32>} : memref<80x128xf32, #tpu.memory_space<vmem>>, vector<1x16xf32>,
        %get3A_82 = arith.index_cast %scan3A_27 : i32 to index
        %get3A_83 = arith.constant 64 : index
        %get3A_84 = tpu.vector_load %arg11[%get3A_82, %get3A_83] {strides = array<i32>} : memref<80x128xf32, #tpu.memory_space<vmem>>, vector<1x16xf32>,
        %get3A_85 = vector.shape_cast %get3A_84 : vector<1x16xf32> to vector<16xf32>
        %get3A_86 = arith.index_cast %scan3A_27 : i32 to index
        %get3A_87 = arith.constant 64 : index
        %get3A_88 = tpu.vector_load %arg12[%get3A_86, %get3A_87] {strides = array<i32>} : memref<80x128xf32, #tpu.memory_space<vmem>>, vector<1x16xf32>,
        %get3A_89 = vector.shape_cast %get3A_88 : vector<1x16xf32> to vector<16xf32>
        %mul3A_90 = arith.mulf %get3A_85, %get3A_89 : vector<16xf32>
        %swap3A_91 = arith.index_cast %scan3A_27 : i32 to index
        %swap3A_92 = arith.constant 64 : index
        %swap3A_93 = tpu.vector_load %arg11[%swap3A_91, %swap3A_92] {strides = array<i32>} : memref<80x128xf32, #tpu.memory_space<vmem>>, vector<1x16xf32>,
        %swap3A_94 = vector.shape_cast %swap3A_93 : vector<1x16xf32> to vector<16xf32>
        %swap3A_95 = vector.shape_cast %mul3A_90 : vector<16xf32> to vector<1x16xf32>
        tpu.vector_store %arg11[%swap3A_91, %swap3A_92], %swap3A_95 {strides = array<i32>} : memref<80x128xf32, #tpu.memory_space<vmem>>, vector<1x16xf32>,
        %get3A_96 = arith.index_cast %scan3A_27 : i32 to index
        %get3A_97 = arith.constant 80 : index
        %get3A_98 = tpu.vector_load %arg11[%get3A_96, %get3A_97] {strides = array<i32>} : memref<80x128xf32, #tpu.memory_space<vmem>>, vector<1x16xf32>,
        %get3A_99 = vector.shape_cast %get3A_98 : vector<1x16xf32> to vector<16xf32>
        %get3A_100 = arith.index_cast %scan3A_27 : i32 to index
        %get3A_101 = arith.constant 80 : index
        %get3A_102 = tpu.vector_load %arg12[%get3A_100, %get3A_101] {strides = array<i32>} : memref<80x128xf32, #tpu.memory_space<vmem>>, vector<1x16xf32>,
        %get3A_103 = vector.shape_cast %get3A_102 : vector<1x16xf32> to vector<16xf32>
        %mul3A_104 = arith.mulf %get3A_99, %get3A_103 : vector<16xf32>
        %swap3A_105 = arith.index_cast %scan3A_27 : i32 to index
        %swap3A_106 = arith.constant 80 : index
        %swap3A_107 = tpu.vector_load %arg11[%swap3A_105, %swap3A_106] {strides = array<i32>} : memref<80x128xf32, #tpu.memory_space<vmem>>, vector<1x16xf32>,
        %swap3A_108 = vector.shape_cast %swap3A_107 : vector<1x16xf32> to vector<16xf32>
        %swap3A_109 = vector.shape_cast %mul3A_104 : vector<16xf32> to vector<1x16xf32>
        tpu.vector_store %arg11[%swap3A_105, %swap3A_106], %swap3A_109 {strides = array<i32>} : memref<80x128xf32, #tpu.memory_space<vmem>>, vector<1x16xf32>,
        %get3A_110 = arith.index_cast %scan3A_27 : i32 to index
        %get3A_111 = arith.constant 96 : index
        %get3A_112 = tpu.vector_load %arg11[%get3A_110, %get3A_111] {strides = array<i32>} : memref<80x128xf32, #tpu.memory_space<vmem>>, vector<1x16xf32>,
        %get3A_113 = vector.shape_cast %get3A_112 : vector<1x16xf32> to vector<16xf32>
        %get3A_114 = arith.index_cast %scan3A_27 : i32 to index
        %get3A_115 = arith.constant 96 : index
        %get3A_116 = tpu.vector_load %arg12[%get3A_114, %get3A_115] {strides = array<i32>} : memref<80x128xf32, #tpu.memory_space<vmem>>, vector<1x16xf32>,
        %get3A_117 = vector.shape_cast %get3A_116 : vector<1x16xf32> to vector<16xf32>
        %mul3A_118 = arith.mulf %get3A_113, %get3A_117 : vector<16xf32>
        %swap3A_119 = arith.index_cast %scan3A_27 : i32 to index
        %swap3A_120 = arith.constant 96 : index
        %swap3A_121 = tpu.vector_load %arg11[%swap3A_119, %swap3A_120] {strides = array<i32>} : memref<80x128xf32, #tpu.memory_space<vmem>>, vector<1x16xf32>,
        %swap3A_122 = vector.shape_cast %swap3A_121 : vector<1x16xf32> to vector<16xf32>
        %swap3A_123 = vector.shape_cast %mul3A_118 : vector<16xf32> to vector<1x16xf32>
        tpu.vector_store %arg11[%swap3A_119, %swap3A_120], %swap3A_123 {strides = array<i32>} : memref<80x128xf32, #tpu.memory_space<vmem>>, vector<1x16xf32>,
        %get3A_124 = arith.index_cast %scan3A_27 : i32 to index
        %get3A_125 = arith.constant 112 : index
        %get3A_126 = tpu.vector_load %arg11[%get3A_124, %get3A_125] {strides = array<i32>} : memref<80x128xf32, #tpu.memory_space<vmem>>, vector<1x16xf32>,
        %get3A_127 = vector.shape_cast %get3A_126 : vector<1x16xf32> to vector<16xf32>
        %get3A_128 = arith.index_cast %scan3A_27 : i32 to index
        %get3A_129 = arith.constant 112 : index
        %get3A_130 = tpu.vector_load %arg12[%get3A_128, %get3A_129] {strides = array<i32>} : memref<80x128xf32, #tpu.memory_space<vmem>>, vector<1x16xf32>,
        %get3A_131 = vector.shape_cast %get3A_130 : vector<1x16xf32> to vector<16xf32>
        %mul3A_132 = arith.mulf %get3A_127, %get3A_131 : vector<16xf32>
        %swap3A_133 = arith.index_cast %scan3A_27 : i32 to index
        %swap3A_134 = arith.constant 112 : index
        %swap3A_135 = tpu.vector_load %arg11[%swap3A_133, %swap3A_134] {strides = array<i32>} : memref<80x128xf32, #tpu.memory_space<vmem>>, vector<1x16xf32>,
        %swap3A_136 = vector.shape_cast %swap3A_135 : vector<1x16xf32> to vector<16xf32>
        %swap3A_137 = vector.shape_cast %mul3A_132 : vector<16xf32> to vector<1x16xf32>
        tpu.vector_store %arg11[%swap3A_133, %swap3A_134], %swap3A_137 {strides = array<i32>} : memref<80x128xf32, #tpu.memory_space<vmem>>, vector<1x16xf32>,
      }
      %scan3A_26 = arith.constant 80 : i32
      "tpu.region"() ({
        %run_scoped3A = tpu.sem_alloc : memref<!tpu.dma_semaphore, #tpu.memory_space<semaphore_mem>>
        %dma_start3A_27 = arith.constant 0 : i32
        %dma_start3A_28 = arith.constant 0 : i32
        %dma_start3A_29 = tpu.memref_slice %arg8[%dma_start3A_27, %dma_start3A_28] : memref<10112x128xf32, #tpu.memory_space<vmem_shared>> -> memref<10112x128xf32, #tpu.memory_space<vmem_shared>>
        tpu.enqueue_indirect_dma source(%arg11 : memref<80x128xf32, #tpu.memory_space<vmem>>) target(%dma_start3A_29 : memref<10112x128xf32, #tpu.memory_space<vmem_shared>>) offsets(%arg10 : memref<80xi32, #tpu.memory_space<vmem>>) semaphore(%run_scoped3A : memref<!tpu.dma_semaphore, #tpu.memory_space<semaphore_mem>>) {add = true}
        %dma_wait3A_30 = arith.constant 0 : i32
        %dma_wait3A_31 = arith.constant 0 : i32
        %dma_wait3A_32 = tpu.memref_slice %arg8[%dma_wait3A_30, %dma_wait3A_31] : memref<10112x128xf32, #tpu.memory_space<vmem_shared>> -> memref<10112x128xf32, #tpu.memory_space<vmem_shared>>
        tpu.wait_indirect_dma semaphore(%run_scoped3A : memref<!tpu.dma_semaphore, #tpu.memory_space<semaphore_mem>>) src(%arg11 : memref<80x128xf32, #tpu.memory_space<vmem>>) dst(%dma_wait3A_32 : memref<10112x128xf32, #tpu.memory_space<vmem_shared>>)
        tpu.yield
      }) : () -> ()
    }
    %scan3A_9 = arith.constant 125 : i32
    %barrier3A_10 = arith.constant 0 : index
    tpu.barrier barrier_id(%barrier3A_10)
    %mul3A_11 = arith.constant 632 : i32
    %mul3A_12 = arith.muli %arg1, %mul3A_11 : i32
    "tpu.region"() ({
      %run_scoped3A = tpu.sem_alloc : memref<!tpu.dma_semaphore, #tpu.memory_space<semaphore_mem>>
      %dma_start3A = arith.constant 0 : i32
      %dma_start3A_13 = tpu.memref_slice %arg7[%arg0, %mul3A_12, %dma_start3A] : memref<2x10112x128xf32, #tpu.memory_space<hbm>> -> memref<1x632x128xf32, #tpu.memory_space<hbm>>
      %dma_start3A_14 = tpu.memref_squeeze %dma_start3A_13 : memref<1x632x128xf32, #tpu.memory_space<hbm>> -> memref<632x128xf32, #tpu.memory_space<hbm>>
      %dma_start3A_15 = arith.constant 0 : i32
      %dma_start3A_16 = tpu.memref_slice %arg8[%mul3A_12, %dma_start3A_15] : memref<10112x128xf32, #tpu.memory_space<vmem_shared>> -> memref<632x128xf32, #tpu.memory_space<vmem_shared>>
      tpu.enqueue_dma source(%dma_start3A_16 : memref<632x128xf32, #tpu.memory_space<vmem_shared>>) target(%dma_start3A_14 : memref<632x128xf32, #tpu.memory_space<hbm>>) target_semaphore(%run_scoped3A : memref<!tpu.dma_semaphore, #tpu.memory_space<semaphore_mem>>)
      %dma_wait3A = arith.constant 0 : i32
      %dma_wait3A_17 = tpu.memref_slice %arg7[%arg0, %mul3A_12, %dma_wait3A] : memref<2x10112x128xf32, #tpu.memory_space<hbm>> -> memref<1x632x128xf32, #tpu.memory_space<hbm>>
      %dma_wait3A_18 = tpu.memref_squeeze %dma_wait3A_17 : memref<1x632x128xf32, #tpu.memory_space<hbm>> -> memref<632x128xf32, #tpu.memory_space<hbm>>
      %dma_wait3A_19 = arith.constant 0 : i32
      %dma_wait3A_20 = tpu.memref_slice %arg8[%mul3A_12, %dma_wait3A_19] : memref<10112x128xf32, #tpu.memory_space<vmem_shared>> -> memref<632x128xf32, #tpu.memory_space<vmem_shared>>
      tpu.wait_dma2 semaphore(%run_scoped3A : memref<!tpu.dma_semaphore, #tpu.memory_space<semaphore_mem>>) src(%dma_wait3A_20 : memref<632x128xf32, #tpu.memory_space<vmem_shared>>) dst(%dma_wait3A_18 : memref<632x128xf32, #tpu.memory_space<hbm>>)
      tpu.yield
    }) : () -> ()
    return
  }
}

#map = affine_map<(d0, d1) -> (0, 0)>
#map1 = affine_map<(d0, d1) -> (0)>
#map2 = affine_map<(d0, d1) -> (0, 0, 0)>
module attributes {stable_mosaic.version = 14 : i64} {
  func.func @body(%arg0: i32, %arg1: i32, %arg2: memref<10000x128xf32, #tpu.memory_space<hbm>>, %arg3: memref<320000xi32, #tpu.memory_space<hbm>>, %arg4: memref<320000xi32, #tpu.memory_space<hbm>>, %arg5: memref<632x128xf32, #tpu.memory_space<hbm>>, %arg6: memref<2x10112x128xf32, #tpu.memory_space<hbm>>, %arg7: memref<10112x128xf32, #tpu.memory_space<vmem_shared>>, %arg8: memref<80xi32, #tpu.memory_space<vmem>>, %arg9: memref<80xi32, #tpu.memory_space<vmem>>, %arg10: memref<80x128xf32, #tpu.memory_space<vmem>>, %arg11: memref<!tpu.dma_semaphore, #tpu.memory_space<semaphore_mem>>) attributes {dimension_semantics = [#tpu.dimension_semantics<core_parallel>, #tpu.dimension_semantics<subcore_parallel>], iteration_bounds = array<i64: 2, 16>, scalar_prefetch = 0 : i64, scratch_operands = 5 : i64, tpu.core_type = #tpu.core_type<sc_vector_subcore>, window_params = [{transform_indices = #map}, {transform_indices = #map1}, {transform_indices = #map1}, {transform_indices = #map}, {transform_indices = #map2}]} {
    %mul3A = arith.constant 16 : i32
    %mul3A_0 = arith.muli %arg0, %mul3A : i32
    %add3A = arith.addi %mul3A_0, %arg1 : i32
    %mul3A_1 = arith.constant 632 : i32
    %mul3A_2 = arith.muli %arg1, %mul3A_1 : i32
    "tpu.region"() ({
      %run_scoped3A = tpu.sem_alloc : memref<!tpu.dma_semaphore, #tpu.memory_space<semaphore_mem>>
      %dma_start3A = arith.constant 0 : i32
      %dma_start3A_13 = tpu.memref_slice %arg7[%mul3A_2, %dma_start3A] : memref<10112x128xf32, #tpu.memory_space<vmem_shared>> -> memref<632x128xf32, #tpu.memory_space<vmem_shared>>
      tpu.enqueue_dma source(%arg5 : memref<632x128xf32, #tpu.memory_space<hbm>>) target(%dma_start3A_13 : memref<632x128xf32, #tpu.memory_space<vmem_shared>>) target_semaphore(%run_scoped3A : memref<!tpu.dma_semaphore, #tpu.memory_space<semaphore_mem>>)
      %dma_wait3A = arith.constant 0 : i32
      %dma_wait3A_14 = tpu.memref_slice %arg7[%mul3A_2, %dma_wait3A] : memref<10112x128xf32, #tpu.memory_space<vmem_shared>> -> memref<632x128xf32, #tpu.memory_space<vmem_shared>>
      tpu.wait_dma2 semaphore(%run_scoped3A : memref<!tpu.dma_semaphore, #tpu.memory_space<semaphore_mem>>) src(%arg5 : memref<632x128xf32, #tpu.memory_space<hbm>>) dst(%dma_wait3A_14 : memref<632x128xf32, #tpu.memory_space<vmem_shared>>)
      tpu.yield
    }) : () -> ()
    %barrier3A = arith.constant 0 : index
    tpu.barrier barrier_id(%barrier3A)
    %mul3A_3 = arith.constant 10000 : i32
    %mul3A_4 = arith.muli %add3A, %mul3A_3 : i32
    %scan3A = arith.constant 0 : i32
    %scan3A_5 = arith.constant 0 : i32
    %scan3A_6 = arith.constant 125 : i32
    %scan3A_7 = arith.addi %scan3A_5, %scan3A_6 : i32
    %scan3A_8 = arith.constant 1 : i32
    scf.for %scan3A_13 = %scan3A_5 to %scan3A_7 step %scan3A_8  : i32 {
      %mul3A_14 = arith.constant 80 : i32
      %mul3A_15 = arith.muli %scan3A_13, %mul3A_14 : i32
      %add3A_16 = arith.addi %mul3A_4, %mul3A_15 : i32
      "tpu.region"() ({
        %run_scoped3A = tpu.sem_alloc : memref<!tpu.dma_semaphore, #tpu.memory_space<semaphore_mem>>
        %dma_start3A_21 = tpu.memref_slice %arg3[%add3A_16] : memref<320000xi32, #tpu.memory_space<hbm>> -> memref<80xi32, #tpu.memory_space<hbm>>
        %dma_start3A_22 = tpu.memref_slice %arg3[%add3A_16] : memref<320000xi32, #tpu.memory_space<hbm>> -> memref<80xi32, #tpu.memory_space<hbm>>
        tpu.enqueue_dma source(%dma_start3A_22 : memref<80xi32, #tpu.memory_space<hbm>>) target(%arg8 : memref<80xi32, #tpu.memory_space<vmem>>) target_semaphore(%run_scoped3A : memref<!tpu.dma_semaphore, #tpu.memory_space<semaphore_mem>>)
        %dma_wait3A_23 = tpu.memref_slice %arg3[%add3A_16] : memref<320000xi32, #tpu.memory_space<hbm>> -> memref<80xi32, #tpu.memory_space<hbm>>
        %dma_wait3A_24 = tpu.memref_slice %arg3[%add3A_16] : memref<320000xi32, #tpu.memory_space<hbm>> -> memref<80xi32, #tpu.memory_space<hbm>>
        tpu.wait_dma2 semaphore(%run_scoped3A : memref<!tpu.dma_semaphore, #tpu.memory_space<semaphore_mem>>) src(%dma_wait3A_24 : memref<80xi32, #tpu.memory_space<hbm>>) dst(%arg8 : memref<80xi32, #tpu.memory_space<vmem>>)
        tpu.yield
      }) : () -> ()
      "tpu.region"() ({
        %run_scoped3A = tpu.sem_alloc : memref<!tpu.dma_semaphore, #tpu.memory_space<semaphore_mem>>
        %dma_start3A_21 = tpu.memref_slice %arg4[%add3A_16] : memref<320000xi32, #tpu.memory_space<hbm>> -> memref<80xi32, #tpu.memory_space<hbm>>
        %dma_start3A_22 = tpu.memref_slice %arg4[%add3A_16] : memref<320000xi32, #tpu.memory_space<hbm>> -> memref<80xi32, #tpu.memory_space<hbm>>
        tpu.enqueue_dma source(%dma_start3A_22 : memref<80xi32, #tpu.memory_space<hbm>>) target(%arg9 : memref<80xi32, #tpu.memory_space<vmem>>) target_semaphore(%run_scoped3A : memref<!tpu.dma_semaphore, #tpu.memory_space<semaphore_mem>>)
        %dma_wait3A_23 = tpu.memref_slice %arg4[%add3A_16] : memref<320000xi32, #tpu.memory_space<hbm>> -> memref<80xi32, #tpu.memory_space<hbm>>
        %dma_wait3A_24 = tpu.memref_slice %arg4[%add3A_16] : memref<320000xi32, #tpu.memory_space<hbm>> -> memref<80xi32, #tpu.memory_space<hbm>>
        tpu.wait_dma2 semaphore(%run_scoped3A : memref<!tpu.dma_semaphore, #tpu.memory_space<semaphore_mem>>) src(%dma_wait3A_24 : memref<80xi32, #tpu.memory_space<hbm>>) dst(%arg9 : memref<80xi32, #tpu.memory_space<vmem>>)
        tpu.yield
      }) : () -> ()
      %dma_start3A = arith.constant 0 : i32
      %dma_start3A_17 = arith.constant 0 : i32
      %dma_start3A_18 = tpu.memref_slice %arg2[%dma_start3A, %dma_start3A_17] : memref<10000x128xf32, #tpu.memory_space<hbm>> -> memref<10000x128xf32, #tpu.memory_space<hbm>>
      tpu.enqueue_indirect_dma source(%dma_start3A_18 : memref<10000x128xf32, #tpu.memory_space<hbm>>) target(%arg10 : memref<80x128xf32, #tpu.memory_space<vmem>>) offsets(%arg8 : memref<80xi32, #tpu.memory_space<vmem>>) semaphore(%arg11 : memref<!tpu.dma_semaphore, #tpu.memory_space<semaphore_mem>>)
      %dma_wait3A = arith.constant 0 : i32
      %dma_wait3A_19 = arith.constant 0 : i32
      %dma_wait3A_20 = tpu.memref_slice %arg2[%dma_wait3A, %dma_wait3A_19] : memref<10000x128xf32, #tpu.memory_space<hbm>> -> memref<10000x128xf32, #tpu.memory_space<hbm>>
      tpu.wait_indirect_dma semaphore(%arg11 : memref<!tpu.dma_semaphore, #tpu.memory_space<semaphore_mem>>) src(%dma_wait3A_20 : memref<10000x128xf32, #tpu.memory_space<hbm>>) dst(%arg10 : memref<80x128xf32, #tpu.memory_space<vmem>>)
      "tpu.region"() ({
        %run_scoped3A = tpu.sem_alloc : memref<!tpu.dma_semaphore, #tpu.memory_space<semaphore_mem>>
        %dma_start3A_21 = arith.constant 0 : i32
        %dma_start3A_22 = arith.constant 0 : i32
        %dma_start3A_23 = tpu.memref_slice %arg7[%dma_start3A_21, %dma_start3A_22] : memref<10112x128xf32, #tpu.memory_space<vmem_shared>> -> memref<10112x128xf32, #tpu.memory_space<vmem_shared>>
        tpu.enqueue_indirect_dma source(%arg10 : memref<80x128xf32, #tpu.memory_space<vmem>>) target(%dma_start3A_23 : memref<10112x128xf32, #tpu.memory_space<vmem_shared>>) offsets(%arg9 : memref<80xi32, #tpu.memory_space<vmem>>) semaphore(%run_scoped3A : memref<!tpu.dma_semaphore, #tpu.memory_space<semaphore_mem>>) {add = true}
        %dma_wait3A_24 = arith.constant 0 : i32
        %dma_wait3A_25 = arith.constant 0 : i32
        %dma_wait3A_26 = tpu.memref_slice %arg7[%dma_wait3A_24, %dma_wait3A_25] : memref<10112x128xf32, #tpu.memory_space<vmem_shared>> -> memref<10112x128xf32, #tpu.memory_space<vmem_shared>>
        tpu.wait_indirect_dma semaphore(%run_scoped3A : memref<!tpu.dma_semaphore, #tpu.memory_space<semaphore_mem>>) src(%arg10 : memref<80x128xf32, #tpu.memory_space<vmem>>) dst(%dma_wait3A_26 : memref<10112x128xf32, #tpu.memory_space<vmem_shared>>)
        tpu.yield
      }) : () -> ()
    }
    %scan3A_9 = arith.constant 125 : i32
    %barrier3A_10 = arith.constant 0 : index
    tpu.barrier barrier_id(%barrier3A_10)
    %mul3A_11 = arith.constant 632 : i32
    %mul3A_12 = arith.muli %arg1, %mul3A_11 : i32
    "tpu.region"() ({
      %run_scoped3A = tpu.sem_alloc : memref<!tpu.dma_semaphore, #tpu.memory_space<semaphore_mem>>
      %dma_start3A = arith.constant 0 : i32
      %dma_start3A_13 = tpu.memref_slice %arg6[%arg0, %mul3A_12, %dma_start3A] : memref<2x10112x128xf32, #tpu.memory_space<hbm>> -> memref<1x632x128xf32, #tpu.memory_space<hbm>>
      %dma_start3A_14 = tpu.memref_squeeze %dma_start3A_13 : memref<1x632x128xf32, #tpu.memory_space<hbm>> -> memref<632x128xf32, #tpu.memory_space<hbm>>
      %dma_start3A_15 = arith.constant 0 : i32
      %dma_start3A_16 = tpu.memref_slice %arg7[%mul3A_12, %dma_start3A_15] : memref<10112x128xf32, #tpu.memory_space<vmem_shared>> -> memref<632x128xf32, #tpu.memory_space<vmem_shared>>
      tpu.enqueue_dma source(%dma_start3A_16 : memref<632x128xf32, #tpu.memory_space<vmem_shared>>) target(%dma_start3A_14 : memref<632x128xf32, #tpu.memory_space<hbm>>) target_semaphore(%run_scoped3A : memref<!tpu.dma_semaphore, #tpu.memory_space<semaphore_mem>>)
      %dma_wait3A = arith.constant 0 : i32
      %dma_wait3A_17 = tpu.memref_slice %arg6[%arg0, %mul3A_12, %dma_wait3A] : memref<2x10112x128xf32, #tpu.memory_space<hbm>> -> memref<1x632x128xf32, #tpu.memory_space<hbm>>
      %dma_wait3A_18 = tpu.memref_squeeze %dma_wait3A_17 : memref<1x632x128xf32, #tpu.memory_space<hbm>> -> memref<632x128xf32, #tpu.memory_space<hbm>>
      %dma_wait3A_19 = arith.constant 0 : i32
      %dma_wait3A_20 = tpu.memref_slice %arg7[%mul3A_12, %dma_wait3A_19] : memref<10112x128xf32, #tpu.memory_space<vmem_shared>> -> memref<632x128xf32, #tpu.memory_space<vmem_shared>>
      tpu.wait_dma2 semaphore(%run_scoped3A : memref<!tpu.dma_semaphore, #tpu.memory_space<semaphore_mem>>) src(%dma_wait3A_20 : memref<632x128xf32, #tpu.memory_space<vmem_shared>>) dst(%dma_wait3A_18 : memref<632x128xf32, #tpu.memory_space<hbm>>)
      tpu.yield
    }) : () -> ()
    return
  }
}

#map = affine_map<(d0, d1) -> (0, 0)>
#map1 = affine_map<(d0, d1) -> (0)>
#map2 = affine_map<(d0, d1) -> (0, 0, 0)>
module attributes {stable_mosaic.version = 14 : i64} {
  func.func @body(%arg0: i32, %arg1: i32, %arg2: memref<10000x128xf32, #tpu.memory_space<hbm>>, %arg3: memref<320000xi32, #tpu.memory_space<hbm>>, %arg4: memref<320000xi32, #tpu.memory_space<hbm>>, %arg5: memref<632x128xf32, #tpu.memory_space<hbm>>, %arg6: memref<2x10112x128xf32, #tpu.memory_space<hbm>>, %arg7: memref<10112x128xf32, #tpu.memory_space<vmem_shared>>, %arg8: memref<80xi32, #tpu.memory_space<vmem>>, %arg9: memref<80xi32, #tpu.memory_space<vmem>>, %arg10: memref<80x128xf32, #tpu.memory_space<vmem>>, %arg11: memref<!tpu.dma_semaphore, #tpu.memory_space<semaphore_mem>>) attributes {dimension_semantics = [#tpu.dimension_semantics<core_parallel>, #tpu.dimension_semantics<subcore_parallel>], iteration_bounds = array<i64: 2, 16>, scalar_prefetch = 0 : i64, scratch_operands = 5 : i64, tpu.core_type = #tpu.core_type<sc_vector_subcore>, window_params = [{transform_indices = #map}, {transform_indices = #map1}, {transform_indices = #map1}, {transform_indices = #map}, {transform_indices = #map2}]} {
    %mul3A = arith.constant 16 : i32
    %mul3A_0 = arith.muli %arg0, %mul3A : i32
    %add3A = arith.addi %mul3A_0, %arg1 : i32
    %mul3A_1 = arith.constant 632 : i32
    %mul3A_2 = arith.muli %arg1, %mul3A_1 : i32
    "tpu.region"() ({
      %run_scoped3A = tpu.sem_alloc : memref<!tpu.dma_semaphore, #tpu.memory_space<semaphore_mem>>
      %dma_start3A = arith.constant 0 : i32
      %dma_start3A_13 = tpu.memref_slice %arg7[%mul3A_2, %dma_start3A] : memref<10112x128xf32, #tpu.memory_space<vmem_shared>> -> memref<632x128xf32, #tpu.memory_space<vmem_shared>>
      tpu.enqueue_dma source(%arg5 : memref<632x128xf32, #tpu.memory_space<hbm>>) target(%dma_start3A_13 : memref<632x128xf32, #tpu.memory_space<vmem_shared>>) target_semaphore(%run_scoped3A : memref<!tpu.dma_semaphore, #tpu.memory_space<semaphore_mem>>)
      %dma_wait3A = arith.constant 0 : i32
      %dma_wait3A_14 = tpu.memref_slice %arg7[%mul3A_2, %dma_wait3A] : memref<10112x128xf32, #tpu.memory_space<vmem_shared>> -> memref<632x128xf32, #tpu.memory_space<vmem_shared>>
      tpu.wait_dma2 semaphore(%run_scoped3A : memref<!tpu.dma_semaphore, #tpu.memory_space<semaphore_mem>>) src(%arg5 : memref<632x128xf32, #tpu.memory_space<hbm>>) dst(%dma_wait3A_14 : memref<632x128xf32, #tpu.memory_space<vmem_shared>>)
      tpu.yield
    }) : () -> ()
    %barrier3A = arith.constant 0 : index
    tpu.barrier barrier_id(%barrier3A)
    %mul3A_3 = arith.constant 10000 : i32
    %mul3A_4 = arith.muli %add3A, %mul3A_3 : i32
    %scan3A = arith.constant 0 : i32
    %scan3A_5 = arith.constant 0 : i32
    %scan3A_6 = arith.constant 125 : i32
    %scan3A_7 = arith.addi %scan3A_5, %scan3A_6 : i32
    %scan3A_8 = arith.constant 1 : i32
    scf.for %scan3A_13 = %scan3A_5 to %scan3A_7 step %scan3A_8  : i32 {
      %mul3A_14 = arith.constant 80 : i32
      %mul3A_15 = arith.muli %scan3A_13, %mul3A_14 : i32
      %add3A_16 = arith.addi %mul3A_4, %mul3A_15 : i32
      "tpu.region"() ({
        %run_scoped3A = tpu.sem_alloc : memref<!tpu.dma_semaphore, #tpu.memory_space<semaphore_mem>>
        %dma_start3A_21 = tpu.memref_slice %arg3[%add3A_16] : memref<320000xi32, #tpu.memory_space<hbm>> -> memref<80xi32, #tpu.memory_space<hbm>>
        %dma_start3A_22 = tpu.memref_slice %arg3[%add3A_16] : memref<320000xi32, #tpu.memory_space<hbm>> -> memref<80xi32, #tpu.memory_space<hbm>>
        tpu.enqueue_dma source(%dma_start3A_22 : memref<80xi32, #tpu.memory_space<hbm>>) target(%arg8 : memref<80xi32, #tpu.memory_space<vmem>>) target_semaphore(%run_scoped3A : memref<!tpu.dma_semaphore, #tpu.memory_space<semaphore_mem>>)
        %dma_wait3A_23 = tpu.memref_slice %arg3[%add3A_16] : memref<320000xi32, #tpu.memory_space<hbm>> -> memref<80xi32, #tpu.memory_space<hbm>>
        %dma_wait3A_24 = tpu.memref_slice %arg3[%add3A_16] : memref<320000xi32, #tpu.memory_space<hbm>> -> memref<80xi32, #tpu.memory_space<hbm>>
        tpu.wait_dma2 semaphore(%run_scoped3A : memref<!tpu.dma_semaphore, #tpu.memory_space<semaphore_mem>>) src(%dma_wait3A_24 : memref<80xi32, #tpu.memory_space<hbm>>) dst(%arg8 : memref<80xi32, #tpu.memory_space<vmem>>)
        tpu.yield
      }) : () -> ()
      "tpu.region"() ({
        %run_scoped3A = tpu.sem_alloc : memref<!tpu.dma_semaphore, #tpu.memory_space<semaphore_mem>>
        %dma_start3A_21 = tpu.memref_slice %arg4[%add3A_16] : memref<320000xi32, #tpu.memory_space<hbm>> -> memref<80xi32, #tpu.memory_space<hbm>>
        %dma_start3A_22 = tpu.memref_slice %arg4[%add3A_16] : memref<320000xi32, #tpu.memory_space<hbm>> -> memref<80xi32, #tpu.memory_space<hbm>>
        tpu.enqueue_dma source(%dma_start3A_22 : memref<80xi32, #tpu.memory_space<hbm>>) target(%arg9 : memref<80xi32, #tpu.memory_space<vmem>>) target_semaphore(%run_scoped3A : memref<!tpu.dma_semaphore, #tpu.memory_space<semaphore_mem>>)
        %dma_wait3A_23 = tpu.memref_slice %arg4[%add3A_16] : memref<320000xi32, #tpu.memory_space<hbm>> -> memref<80xi32, #tpu.memory_space<hbm>>
        %dma_wait3A_24 = tpu.memref_slice %arg4[%add3A_16] : memref<320000xi32, #tpu.memory_space<hbm>> -> memref<80xi32, #tpu.memory_space<hbm>>
        tpu.wait_dma2 semaphore(%run_scoped3A : memref<!tpu.dma_semaphore, #tpu.memory_space<semaphore_mem>>) src(%dma_wait3A_24 : memref<80xi32, #tpu.memory_space<hbm>>) dst(%arg9 : memref<80xi32, #tpu.memory_space<vmem>>)
        tpu.yield
      }) : () -> ()
      %dma_start3A = arith.constant 0 : i32
      %dma_start3A_17 = arith.constant 0 : i32
      %dma_start3A_18 = tpu.memref_slice %arg2[%dma_start3A, %dma_start3A_17] : memref<10000x128xf32, #tpu.memory_space<hbm>> -> memref<10000x128xf32, #tpu.memory_space<hbm>>
      tpu.enqueue_indirect_dma source(%dma_start3A_18 : memref<10000x128xf32, #tpu.memory_space<hbm>>) target(%arg10 : memref<80x128xf32, #tpu.memory_space<vmem>>) offsets(%arg8 : memref<80xi32, #tpu.memory_space<vmem>>) semaphore(%arg11 : memref<!tpu.dma_semaphore, #tpu.memory_space<semaphore_mem>>)
      %dma_wait3A = arith.constant 0 : i32
      %dma_wait3A_19 = arith.constant 0 : i32
      %dma_wait3A_20 = tpu.memref_slice %arg2[%dma_wait3A, %dma_wait3A_19] : memref<10000x128xf32, #tpu.memory_space<hbm>> -> memref<10000x128xf32, #tpu.memory_space<hbm>>
      tpu.wait_indirect_dma semaphore(%arg11 : memref<!tpu.dma_semaphore, #tpu.memory_space<semaphore_mem>>) src(%dma_wait3A_20 : memref<10000x128xf32, #tpu.memory_space<hbm>>) dst(%arg10 : memref<80x128xf32, #tpu.memory_space<vmem>>)
      "tpu.region"() ({
        %run_scoped3A = tpu.sem_alloc : memref<!tpu.dma_semaphore, #tpu.memory_space<semaphore_mem>>
        %dma_start3A_21 = arith.constant 0 : i32
        %dma_start3A_22 = arith.constant 0 : i32
        %dma_start3A_23 = tpu.memref_slice %arg7[%dma_start3A_21, %dma_start3A_22] : memref<10112x128xf32, #tpu.memory_space<vmem_shared>> -> memref<10112x128xf32, #tpu.memory_space<vmem_shared>>
        tpu.enqueue_indirect_dma source(%arg10 : memref<80x128xf32, #tpu.memory_space<vmem>>) target(%dma_start3A_23 : memref<10112x128xf32, #tpu.memory_space<vmem_shared>>) offsets(%arg9 : memref<80xi32, #tpu.memory_space<vmem>>) semaphore(%run_scoped3A : memref<!tpu.dma_semaphore, #tpu.memory_space<semaphore_mem>>) {add = true}
        %dma_wait3A_24 = arith.constant 0 : i32
        %dma_wait3A_25 = arith.constant 0 : i32
        %dma_wait3A_26 = tpu.memref_slice %arg7[%dma_wait3A_24, %dma_wait3A_25] : memref<10112x128xf32, #tpu.memory_space<vmem_shared>> -> memref<10112x128xf32, #tpu.memory_space<vmem_shared>>
        tpu.wait_indirect_dma semaphore(%run_scoped3A : memref<!tpu.dma_semaphore, #tpu.memory_space<semaphore_mem>>) src(%arg10 : memref<80x128xf32, #tpu.memory_space<vmem>>) dst(%dma_wait3A_26 : memref<10112x128xf32, #tpu.memory_space<vmem_shared>>)
        tpu.yield
      }) : () -> ()
    }
    %scan3A_9 = arith.constant 125 : i32
    %barrier3A_10 = arith.constant 0 : index
    tpu.barrier barrier_id(%barrier3A_10)
    %mul3A_11 = arith.constant 632 : i32
    %mul3A_12 = arith.muli %arg1, %mul3A_11 : i32
    "tpu.region"() ({
      %run_scoped3A = tpu.sem_alloc : memref<!tpu.dma_semaphore, #tpu.memory_space<semaphore_mem>>
      %dma_start3A = arith.constant 0 : i32
      %dma_start3A_13 = tpu.memref_slice %arg6[%arg0, %mul3A_12, %dma_start3A] : memref<2x10112x128xf32, #tpu.memory_space<hbm>> -> memref<1x632x128xf32, #tpu.memory_space<hbm>>
      %dma_start3A_14 = tpu.memref_squeeze %dma_start3A_13 : memref<1x632x128xf32, #tpu.memory_space<hbm>> -> memref<632x128xf32, #tpu.memory_space<hbm>>
      %dma_start3A_15 = arith.constant 0 : i32
      %dma_start3A_16 = tpu.memref_slice %arg7[%mul3A_12, %dma_start3A_15] : memref<10112x128xf32, #tpu.memory_space<vmem_shared>> -> memref<632x128xf32, #tpu.memory_space<vmem_shared>>
      tpu.enqueue_dma source(%dma_start3A_16 : memref<632x128xf32, #tpu.memory_space<vmem_shared>>) target(%dma_start3A_14 : memref<632x128xf32, #tpu.memory_space<hbm>>) target_semaphore(%run_scoped3A : memref<!tpu.dma_semaphore, #tpu.memory_space<semaphore_mem>>)
      %dma_wait3A = arith.constant 0 : i32
      %dma_wait3A_17 = tpu.memref_slice %arg6[%arg0, %mul3A_12, %dma_wait3A] : memref<2x10112x128xf32, #tpu.memory_space<hbm>> -> memref<1x632x128xf32, #tpu.memory_space<hbm>>
      %dma_wait3A_18 = tpu.memref_squeeze %dma_wait3A_17 : memref<1x632x128xf32, #tpu.memory_space<hbm>> -> memref<632x128xf32, #tpu.memory_space<hbm>>
      %dma_wait3A_19 = arith.constant 0 : i32
      %dma_wait3A_20 = tpu.memref_slice %arg7[%mul3A_12, %dma_wait3A_19] : memref<10112x128xf32, #tpu.memory_space<vmem_shared>> -> memref<632x128xf32, #tpu.memory_space<vmem_shared>>
      tpu.wait_dma2 semaphore(%run_scoped3A : memref<!tpu.dma_semaphore, #tpu.memory_space<semaphore_mem>>) src(%dma_wait3A_20 : memref<632x128xf32, #tpu.memory_space<vmem_shared>>) dst(%dma_wait3A_18 : memref<632x128xf32, #tpu.memory_space<hbm>>)
      tpu.yield
    }) : () -> ()
    return
  }
}

module attributes {stable_mosaic.version = 14 : i64} {
  func.func @_proj2_body(%arg0: i32, %arg1: memref<1000x128xf32, #tpu.memory_space<vmem>>, %arg2: memref<128x128xf32, #tpu.memory_space<vmem>>, %arg3: memref<128x128xf32, #tpu.memory_space<vmem>>, %arg4: memref<1x128xf32, #tpu.memory_space<vmem>>, %arg5: memref<1000x128xf32, #tpu.memory_space<vmem>>, %arg6: memref<1000x128xf32, #tpu.memory_space<vmem>>) attributes {dimension_semantics = [#tpu.dimension_semantics<arbitrary>], iteration_bounds = array<i64: 10>, scalar_prefetch = 0 : i64, scratch_operands = 0 : i64, tpu.core_type = #tpu.core_type<tc>, window_params = [{transform_indices = @transform_0, window_bounds = array<i64: 1000, 128>}, {pipeline_mode = #tpu.pipeline_mode<synchronous>, transform_indices = @transform_1, window_bounds = array<i64: 128, 128>}, {pipeline_mode = #tpu.pipeline_mode<synchronous>, transform_indices = @transform_2, window_bounds = array<i64: 128, 128>}, {pipeline_mode = #tpu.pipeline_mode<synchronous>, transform_indices = @transform_3, window_bounds = array<i64: 1, 128>}, {transform_indices = @transform_4, window_bounds = array<i64: 1000, 128>}, {transform_indices = @transform_5, window_bounds = array<i64: 1000, 128>}]} {
    %get3A = arith.constant 0 : index
    %get3A_0 = arith.constant 0 : index
    %get3A_1 = vector.load %arg1[%get3A, %get3A_0] : memref<1000x128xf32, #tpu.memory_space<vmem>>, vector<1000x128xf32>
    %get3A_2 = arith.constant 0 : index
    %get3A_3 = arith.constant 0 : index
    %get3A_4 = vector.load %arg2[%get3A_2, %get3A_3] : memref<128x128xf32, #tpu.memory_space<vmem>>, vector<128x128xf32>
    %dot_general3A = arith.constant dense<0.000000e+00> : vector<1000x128xf32>
    %dot_general3A_5 = tpu.matmul %get3A_1, %get3A_4, %dot_general3A {dimension_numbers = #tpu.dot_dimension_numbers<[1], [0], [0], [1], [0, 0, 1, 1], [], []>, transpose_lhs_hint = false} : vector<1000x128xf32>, vector<128x128xf32>, vector<1000x128xf32> -> vector<1000x128xf32>
    %swap3A = arith.constant 0 : index
    %swap3A_6 = arith.constant 0 : index
    %swap3A_7 = vector.load %arg5[%swap3A, %swap3A_6] : memref<1000x128xf32, #tpu.memory_space<vmem>>, vector<1000x128xf32>
    tpu.vector_store %arg5[%swap3A, %swap3A_6], %dot_general3A_5 {strides = array<i32>} : memref<1000x128xf32, #tpu.memory_space<vmem>>, vector<1000x128xf32>,
    %get3A_8 = arith.constant 0 : index
    %get3A_9 = arith.constant 0 : index
    %get3A_10 = vector.load %arg3[%get3A_8, %get3A_9] : memref<128x128xf32, #tpu.memory_space<vmem>>, vector<128x128xf32>
    %dot_general3A_11 = arith.constant dense<0.000000e+00> : vector<1000x128xf32>
    %dot_general3A_12 = tpu.matmul %get3A_1, %get3A_10, %dot_general3A_11 {dimension_numbers = #tpu.dot_dimension_numbers<[1], [0], [0], [1], [0, 0, 1, 1], [], []>, transpose_lhs_hint = false} : vector<1000x128xf32>, vector<128x128xf32>, vector<1000x128xf32> -> vector<1000x128xf32>
    %get3A_13 = arith.constant 0 : index
    %get3A_14 = arith.constant 0 : index
    %get3A_15 = vector.load %arg4[%get3A_13, %get3A_14] : memref<1x128xf32, #tpu.memory_space<vmem>>, vector<1x128xf32>
    %add3A = vector.broadcast %get3A_15 : vector<1x128xf32> to vector<1000x128xf32>
    %add3A_16 = arith.addf %dot_general3A_12, %add3A : vector<1000x128xf32>
    %swap3A_17 = arith.constant 0 : index
    %swap3A_18 = arith.constant 0 : index
    %swap3A_19 = vector.load %arg6[%swap3A_17, %swap3A_18] : memref<1000x128xf32, #tpu.memory_space<vmem>>, vector<1000x128xf32>
    tpu.vector_store %arg6[%swap3A_17, %swap3A_18], %add3A_16 {strides = array<i32>} : memref<1000x128xf32, #tpu.memory_space<vmem>>, vector<1000x128xf32>,
    return
  }
  func.func @transform_0(%arg0: i32) -> (i32, i32) {
    %c0_i32 = arith.constant 0 : i32
    %c0_i32_0 = arith.constant 0 : i32
    return %arg0, %c0_i32 : i32, i32
  }
  func.func @transform_1(%arg0: i32) -> (i32, i32) {
    %c0_i32 = arith.constant 0 : i32
    %c0_i32_0 = arith.constant 0 : i32
    %c0_i32_1 = arith.constant 0 : i32
    return %c0_i32, %c0_i32_0 : i32, i32
  }
  func.func @transform_2(%arg0: i32) -> (i32, i32) {
    %c0_i32 = arith.constant 0 : i32
    %c0_i32_0 = arith.constant 0 : i32
    %c0_i32_1 = arith.constant 0 : i32
    return %c0_i32, %c0_i32_0 : i32, i32
  }
  func.func @transform_3(%arg0: i32) -> (i32, i32) {
    %c0_i32 = arith.constant 0 : i32
    %c0_i32_0 = arith.constant 0 : i32
    %c0_i32_1 = arith.constant 0 : i32
    return %c0_i32, %c0_i32_0 : i32, i32
  }
  func.func @transform_4(%arg0: i32) -> (i32, i32) {
    %c0_i32 = arith.constant 0 : i32
    %c0_i32_0 = arith.constant 0 : i32
    return %arg0, %c0_i32 : i32, i32
  }
  func.func @transform_5(%arg0: i32) -> (i32, i32) {
    %c0_i32 = arith.constant 0 : i32
    %c0_i32_0 = arith.constant 0 : i32
    return %arg0, %c0_i32 : i32, i32
  }
}

module attributes {stable_mosaic.version = 14 : i64} {
  func.func @_gate_body(%arg0: i32, %arg1: memref<1600x16xf32, #tpu.memory_space<vmem>>, %arg2: memref<16x128xf32, #tpu.memory_space<vmem>>, %arg3: memref<1x128xf32, #tpu.memory_space<vmem>>, %arg4: memref<1600x128xf32, #tpu.memory_space<vmem>>) attributes {dimension_semantics = [#tpu.dimension_semantics<arbitrary>], iteration_bounds = array<i64: 200>, scalar_prefetch = 0 : i64, scratch_operands = 0 : i64, tpu.core_type = #tpu.core_type<tc>, window_params = [{transform_indices = @transform_0, window_bounds = array<i64: 1600, 16>}, {pipeline_mode = #tpu.pipeline_mode<synchronous>, transform_indices = @transform_1, window_bounds = array<i64: 16, 128>}, {pipeline_mode = #tpu.pipeline_mode<synchronous>, transform_indices = @transform_2, window_bounds = array<i64: 1, 128>}, {transform_indices = @transform_3, window_bounds = array<i64: 1600, 128>}]} {
    %get3A = arith.constant 0 : index
    %get3A_0 = arith.constant 0 : index
    %get3A_1 = vector.load %arg1[%get3A, %get3A_0] : memref<1600x16xf32, #tpu.memory_space<vmem>>, vector<1600x16xf32>
    %get3A_2 = arith.constant 0 : index
    %get3A_3 = arith.constant 0 : index
    %get3A_4 = vector.load %arg2[%get3A_2, %get3A_3] : memref<16x128xf32, #tpu.memory_space<vmem>>, vector<16x128xf32>
    %dot_general3A = arith.constant dense<0.000000e+00> : vector<1600x128xf32>
    %dot_general3A_5 = tpu.matmul %get3A_1, %get3A_4, %dot_general3A {dimension_numbers = #tpu.dot_dimension_numbers<[1], [0], [0], [1], [0, 0, 1, 1], [], []>, transpose_lhs_hint = false} : vector<1600x16xf32>, vector<16x128xf32>, vector<1600x128xf32> -> vector<1600x128xf32>
    %get3A_6 = arith.constant 0 : index
    %get3A_7 = arith.constant 0 : index
    %get3A_8 = vector.load %arg3[%get3A_6, %get3A_7] : memref<1x128xf32, #tpu.memory_space<vmem>>, vector<1x128xf32>
    %add3A = vector.broadcast %get3A_8 : vector<1x128xf32> to vector<1600x128xf32>
    %add3A_9 = arith.addf %dot_general3A_5, %add3A : vector<1600x128xf32>
    %max3A = arith.constant 0.000000e+00 : f32
    %max3A_10 = vector.broadcast %max3A : f32 to vector<1600x128xf32>
    %max3A_11 = arith.maximumf %add3A_9, %max3A_10 : vector<1600x128xf32>
    %swap3A = arith.constant 0 : index
    %swap3A_12 = arith.constant 0 : index
    %swap3A_13 = vector.load %arg4[%swap3A, %swap3A_12] : memref<1600x128xf32, #tpu.memory_space<vmem>>, vector<1600x128xf32>
    tpu.vector_store %arg4[%swap3A, %swap3A_12], %max3A_11 {strides = array<i32>} : memref<1600x128xf32, #tpu.memory_space<vmem>>, vector<1600x128xf32>,
    return
  }
  func.func @transform_0(%arg0: i32) -> (i32, i32) {
    %c0_i32 = arith.constant 0 : i32
    %c0_i32_0 = arith.constant 0 : i32
    return %arg0, %c0_i32 : i32, i32
  }
  func.func @transform_1(%arg0: i32) -> (i32, i32) {
    %c0_i32 = arith.constant 0 : i32
    %c0_i32_0 = arith.constant 0 : i32
    %c0_i32_1 = arith.constant 0 : i32
    return %c0_i32, %c0_i32_0 : i32, i32
  }
  func.func @transform_2(%arg0: i32) -> (i32, i32) {
    %c0_i32 = arith.constant 0 : i32
    %c0_i32_0 = arith.constant 0 : i32
    %c0_i32_1 = arith.constant 0 : i32
    return %c0_i32, %c0_i32_0 : i32, i32
  }
  func.func @transform_3(%arg0: i32) -> (i32, i32) {
    %c0_i32 = arith.constant 0 : i32
    %c0_i32_0 = arith.constant 0 : i32
    return %arg0, %c0_i32 : i32, i32
  }
}

module attributes {stable_mosaic.version = 14 : i64} {
  func.func @_combine_body(%arg0: i32, %arg1: memref<2x1000x128xf32, #tpu.memory_space<vmem>>, %arg2: memref<1000x128xf32, #tpu.memory_space<vmem>>, %arg3: memref<128x128xf32, #tpu.memory_space<vmem>>, %arg4: memref<128x128xf32, #tpu.memory_space<vmem>>, %arg5: memref<1x128xf32, #tpu.memory_space<vmem>>, %arg6: memref<1000x128xf32, #tpu.memory_space<vmem>>, %arg7: memref<1000x128xf32, #tpu.memory_space<vmem>>) attributes {dimension_semantics = [#tpu.dimension_semantics<arbitrary>], iteration_bounds = array<i64: 10>, scalar_prefetch = 0 : i64, scratch_operands = 0 : i64, tpu.core_type = #tpu.core_type<tc>, window_params = [{transform_indices = @transform_0, window_bounds = array<i64: 2, 1000, 128>}, {transform_indices = @transform_1, window_bounds = array<i64: 1000, 128>}, {pipeline_mode = #tpu.pipeline_mode<synchronous>, transform_indices = @transform_2, window_bounds = array<i64: 128, 128>}, {pipeline_mode = #tpu.pipeline_mode<synchronous>, transform_indices = @transform_3, window_bounds = array<i64: 128, 128>}, {pipeline_mode = #tpu.pipeline_mode<synchronous>, transform_indices = @transform_4, window_bounds = array<i64: 1, 128>}, {transform_indices = @transform_5, window_bounds = array<i64: 1000, 128>}, {transform_indices = @transform_6, window_bounds = array<i64: 1000, 128>}]} {
    %get3A = arith.constant 0 : index
    %get3A_0 = arith.constant 0 : index
    %get3A_1 = arith.constant 0 : index
    %get3A_2 = vector.load %arg1[%get3A, %get3A_0, %get3A_1] : memref<2x1000x128xf32, #tpu.memory_space<vmem>>, vector<1x1000x128xf32>
    %get3A_3 = vector.shape_cast %get3A_2 : vector<1x1000x128xf32> to vector<1000x128xf32>
    %get3A_4 = arith.constant 1 : index
    %get3A_5 = arith.constant 0 : index
    %get3A_6 = arith.constant 0 : index
    %get3A_7 = vector.load %arg1[%get3A_4, %get3A_5, %get3A_6] : memref<2x1000x128xf32, #tpu.memory_space<vmem>>, vector<1x1000x128xf32>
    %get3A_8 = vector.shape_cast %get3A_7 : vector<1x1000x128xf32> to vector<1000x128xf32>
    %add3A = arith.addf %get3A_3, %get3A_8 : vector<1000x128xf32>
    %get3A_9 = arith.constant 0 : index
    %get3A_10 = arith.constant 0 : index
    %get3A_11 = vector.load %arg2[%get3A_9, %get3A_10] : memref<1000x128xf32, #tpu.memory_space<vmem>>, vector<1000x128xf32>
    %add3A_12 = arith.addf %add3A, %get3A_11 : vector<1000x128xf32>
    %max3A = arith.constant 0.000000e+00 : f32
    %max3A_13 = vector.broadcast %max3A : f32 to vector<1000x128xf32>
    %max3A_14 = arith.maximumf %add3A_12, %max3A_13 : vector<1000x128xf32>
    %get3A_15 = arith.constant 0 : index
    %get3A_16 = arith.constant 0 : index
    %get3A_17 = vector.load %arg3[%get3A_15, %get3A_16] : memref<128x128xf32, #tpu.memory_space<vmem>>, vector<128x128xf32>
    %dot_general3A = arith.constant dense<0.000000e+00> : vector<1000x128xf32>
    %dot_general3A_18 = tpu.matmul %max3A_14, %get3A_17, %dot_general3A {dimension_numbers = #tpu.dot_dimension_numbers<[1], [0], [0], [1], [0, 0, 1, 1], [], []>, transpose_lhs_hint = false} : vector<1000x128xf32>, vector<128x128xf32>, vector<1000x128xf32> -> vector<1000x128xf32>
    %swap3A = arith.constant 0 : index
    %swap3A_19 = arith.constant 0 : index
    %swap3A_20 = vector.load %arg6[%swap3A, %swap3A_19] : memref<1000x128xf32, #tpu.memory_space<vmem>>, vector<1000x128xf32>
    tpu.vector_store %arg6[%swap3A, %swap3A_19], %dot_general3A_18 {strides = array<i32>} : memref<1000x128xf32, #tpu.memory_space<vmem>>, vector<1000x128xf32>,
    %get3A_21 = arith.constant 0 : index
    %get3A_22 = arith.constant 0 : index
    %get3A_23 = vector.load %arg4[%get3A_21, %get3A_22] : memref<128x128xf32, #tpu.memory_space<vmem>>, vector<128x128xf32>
    %dot_general3A_24 = arith.constant dense<0.000000e+00> : vector<1000x128xf32>
    %dot_general3A_25 = tpu.matmul %max3A_14, %get3A_23, %dot_general3A_24 {dimension_numbers = #tpu.dot_dimension_numbers<[1], [0], [0], [1], [0, 0, 1, 1], [], []>, transpose_lhs_hint = false} : vector<1000x128xf32>, vector<128x128xf32>, vector<1000x128xf32> -> vector<1000x128xf32>
    %get3A_26 = arith.constant 0 : index
    %get3A_27 = arith.constant 0 : index
    %get3A_28 = vector.load %arg5[%get3A_26, %get3A_27] : memref<1x128xf32, #tpu.memory_space<vmem>>, vector<1x128xf32>
    %add3A_29 = vector.broadcast %get3A_28 : vector<1x128xf32> to vector<1000x128xf32>
    %add3A_30 = arith.addf %dot_general3A_25, %add3A_29 : vector<1000x128xf32>
    %swap3A_31 = arith.constant 0 : index
    %swap3A_32 = arith.constant 0 : index
    %swap3A_33 = vector.load %arg7[%swap3A_31, %swap3A_32] : memref<1000x128xf32, #tpu.memory_space<vmem>>, vector<1000x128xf32>
    tpu.vector_store %arg7[%swap3A_31, %swap3A_32], %add3A_30 {strides = array<i32>} : memref<1000x128xf32, #tpu.memory_space<vmem>>, vector<1000x128xf32>,
    return
  }
  func.func @transform_0(%arg0: i32) -> (i32, i32, i32) {
    %c0_i32 = arith.constant 0 : i32
    %c0_i32_0 = arith.constant 0 : i32
    %c0_i32_1 = arith.constant 0 : i32
    return %c0_i32, %arg0, %c0_i32_0 : i32, i32, i32
  }
  func.func @transform_1(%arg0: i32) -> (i32, i32) {
    %c0_i32 = arith.constant 0 : i32
    %c0_i32_0 = arith.constant 0 : i32
    return %arg0, %c0_i32 : i32, i32
  }
  func.func @transform_2(%arg0: i32) -> (i32, i32) {
    %c0_i32 = arith.constant 0 : i32
    %c0_i32_0 = arith.constant 0 : i32
    %c0_i32_1 = arith.constant 0 : i32
    return %c0_i32, %c0_i32_0 : i32, i32
  }
  func.func @transform_3(%arg0: i32) -> (i32, i32) {
    %c0_i32 = arith.constant 0 : i32
    %c0_i32_0 = arith.constant 0 : i32
    %c0_i32_1 = arith.constant 0 : i32
    return %c0_i32, %c0_i32_0 : i32, i32
  }
  func.func @transform_4(%arg0: i32) -> (i32, i32) {
    %c0_i32 = arith.constant 0 : i32
    %c0_i32_0 = arith.constant 0 : i32
    %c0_i32_1 = arith.constant 0 : i32
    return %c0_i32, %c0_i32_0 : i32, i32
  }
  func.func @transform_5(%arg0: i32) -> (i32, i32) {
    %c0_i32 = arith.constant 0 : i32
    %c0_i32_0 = arith.constant 0 : i32
    return %arg0, %c0_i32 : i32, i32
  }
  func.func @transform_6(%arg0: i32) -> (i32, i32) {
    %c0_i32 = arith.constant 0 : i32
    %c0_i32_0 = arith.constant 0 : i32
    return %arg0, %c0_i32 : i32, i32
  }
}

module attributes {stable_mosaic.version = 14 : i64} {
  func.func @_final_body(%arg0: i32, %arg1: memref<2x1000x128xf32, #tpu.memory_space<vmem>>, %arg2: memref<1000x128xf32, #tpu.memory_space<vmem>>, %arg3: memref<1000x1xf32, #tpu.memory_space<vmem>>, %arg4: memref<128x1xf32, #tpu.memory_space<vmem>>, %arg5: memref<1x1xf32, #tpu.memory_space<vmem>>, %arg6: memref<1x64xf32, #tpu.memory_space<vmem>>, %arg7: memref<1x64xf32, #tpu.memory_space<vmem>>, %arg8: memref<1x64xf32, #tpu.memory_space<vmem>>) attributes {dimension_semantics = [#tpu.dimension_semantics<arbitrary>], iteration_bounds = array<i64: 10>, scalar_prefetch = 0 : i64, scratch_operands = 2 : i64, tpu.core_type = #tpu.core_type<tc>, window_params = [{transform_indices = @transform_0, window_bounds = array<i64: 2, 1000, 128>}, {transform_indices = @transform_1, window_bounds = array<i64: 1000, 128>}, {transform_indices = @transform_2, window_bounds = array<i64: 1000, 1>}, {pipeline_mode = #tpu.pipeline_mode<synchronous>, transform_indices = @transform_3, window_bounds = array<i64: 128, 1>}, {pipeline_mode = #tpu.pipeline_mode<synchronous>, transform_indices = @transform_4, window_bounds = array<i64: 1, 1>}, {pipeline_mode = #tpu.pipeline_mode<synchronous>, transform_indices = @transform_5, window_bounds = array<i64: 1, 64>}]} {
    %eq3A = arith.constant 0 : i32
    %eq3A_0 = arith.cmpi eq, %arg0, %eq3A : i32
    %convert_element_type3A = arith.extui %eq3A_0 : i1 to i32
    %cond3A = arith.constant 0 : i32
    %cond3A_1 = arith.cmpi ne, %convert_element_type3A, %cond3A : i32
    scf.if %cond3A_1 {
      %broadcast_in_dim3A_53 = arith.constant 0.000000e+00 : f32
      %broadcast_in_dim3A_54 = vector.broadcast %broadcast_in_dim3A_53 : f32 to vector<1x64xf32>
      %swap3A_55 = arith.constant 0 : index
      %swap3A_56 = arith.constant 0 : index
      %swap3A_57 = vector.load %arg7[%swap3A_55, %swap3A_56] : memref<1x64xf32, #tpu.memory_space<vmem>>, vector<1x64xf32>
      tpu.vector_store %arg7[%swap3A_55, %swap3A_56], %broadcast_in_dim3A_54 {strides = array<i32>} : memref<1x64xf32, #tpu.memory_space<vmem>>, vector<1x64xf32>,
      %broadcast_in_dim3A_58 = arith.constant 0.000000e+00 : f32
      %broadcast_in_dim3A_59 = vector.broadcast %broadcast_in_dim3A_58 : f32 to vector<1x64xf32>
      %swap3A_60 = arith.constant 0 : index
      %swap3A_61 = arith.constant 0 : index
      %swap3A_62 = vector.load %arg8[%swap3A_60, %swap3A_61] : memref<1x64xf32, #tpu.memory_space<vmem>>, vector<1x64xf32>
      tpu.vector_store %arg8[%swap3A_60, %swap3A_61], %broadcast_in_dim3A_59 {strides = array<i32>} : memref<1x64xf32, #tpu.memory_space<vmem>>, vector<1x64xf32>,
    } else {
    }
    %get3A = arith.constant 0 : index
    %get3A_2 = arith.constant 0 : index
    %get3A_3 = arith.constant 0 : index
    %get3A_4 = vector.load %arg1[%get3A, %get3A_2, %get3A_3] : memref<2x1000x128xf32, #tpu.memory_space<vmem>>, vector<1x1000x128xf32>
    %get3A_5 = vector.shape_cast %get3A_4 : vector<1x1000x128xf32> to vector<1000x128xf32>
    %get3A_6 = arith.constant 1 : index
    %get3A_7 = arith.constant 0 : index
    %get3A_8 = arith.constant 0 : index
    %get3A_9 = vector.load %arg1[%get3A_6, %get3A_7, %get3A_8] : memref<2x1000x128xf32, #tpu.memory_space<vmem>>, vector<1x1000x128xf32>
    %get3A_10 = vector.shape_cast %get3A_9 : vector<1x1000x128xf32> to vector<1000x128xf32>
    %add3A = arith.addf %get3A_5, %get3A_10 : vector<1000x128xf32>
    %get3A_11 = arith.constant 0 : index
    %get3A_12 = arith.constant 0 : index
    %get3A_13 = vector.load %arg2[%get3A_11, %get3A_12] : memref<1000x128xf32, #tpu.memory_space<vmem>>, vector<1000x128xf32>
    %add3A_14 = arith.addf %add3A, %get3A_13 : vector<1000x128xf32>
    %max3A = arith.constant 0.000000e+00 : f32
    %max3A_15 = vector.broadcast %max3A : f32 to vector<1000x128xf32>
    %max3A_16 = arith.maximumf %add3A_14, %max3A_15 : vector<1000x128xf32>
    %get3A_17 = arith.constant 0 : index
    %get3A_18 = arith.constant 0 : index
    %get3A_19 = vector.load %arg4[%get3A_17, %get3A_18] : memref<128x1xf32, #tpu.memory_space<vmem>>, vector<128x1xf32>
    %dot_general3A = arith.constant dense<0.000000e+00> : vector<1000x1xf32>
    %dot_general3A_20 = tpu.matmul %max3A_16, %get3A_19, %dot_general3A {dimension_numbers = #tpu.dot_dimension_numbers<[1], [0], [0], [1], [0, 0, 1, 1], [], []>, transpose_lhs_hint = false} : vector<1000x128xf32>, vector<128x1xf32>, vector<1000x1xf32> -> vector<1000x1xf32>
    %iota3A = tpu.iota {dimensions = array<i32: 1>} : vector<1x64xi32>
    %convert_element_type3A_21 = arith.sitofp %iota3A : vector<1x64xi32> to vector<1x64xf32>
    %get3A_22 = arith.constant 0 : index
    %get3A_23 = arith.constant 0 : index
    %get3A_24 = vector.load %arg3[%get3A_22, %get3A_23] : memref<1000x1xf32, #tpu.memory_space<vmem>>, vector<1000x1xf32>
    %eq3A_25 = vector.broadcast %get3A_24 : vector<1000x1xf32> to vector<1000x64xf32>
    %eq3A_26 = vector.broadcast %convert_element_type3A_21 : vector<1x64xf32> to vector<1000x64xf32>
    %eq3A_27 = arith.cmpf oeq, %eq3A_25, %eq3A_26 : vector<1000x64xf32>
    %convert_element_type3A_28 = arith.extui %eq3A_27 : vector<1000x64xi1> to vector<1000x64xi32>
    %convert_element_type3A_29 = arith.sitofp %convert_element_type3A_28 : vector<1000x64xi32> to vector<1000x64xf32>
    %get3A_30 = arith.constant 0 : index
    %get3A_31 = arith.constant 0 : index
    %get3A_32 = vector.load %arg7[%get3A_30, %get3A_31] : memref<1x64xf32, #tpu.memory_space<vmem>>, vector<1x64xf32>
    %mul3A = vector.broadcast %dot_general3A_20 : vector<1000x1xf32> to vector<1000x64xf32>
    %mul3A_33 = arith.mulf %convert_element_type3A_29, %mul3A : vector<1000x64xf32>
    %reduce_sum3A = arith.constant dense<0.000000e+00> : vector<64xf32>
    %reduce_sum3A_34 = vector.multi_reduction <add>, %mul3A_33, %reduce_sum3A [0] : vector<1000x64xf32> to vector<64xf32>
    %broadcast_in_dim3A = vector.shape_cast %reduce_sum3A_34 : vector<64xf32> to vector<1x64xf32>
    %add3A_35 = arith.addf %get3A_32, %broadcast_in_dim3A : vector<1x64xf32>
    %swap3A = arith.constant 0 : index
    %swap3A_36 = arith.constant 0 : index
    %swap3A_37 = vector.load %arg7[%swap3A, %swap3A_36] : memref<1x64xf32, #tpu.memory_space<vmem>>, vector<1x64xf32>
    tpu.vector_store %arg7[%swap3A, %swap3A_36], %add3A_35 {strides = array<i32>} : memref<1x64xf32, #tpu.memory_space<vmem>>, vector<1x64xf32>,
    %get3A_38 = arith.constant 0 : index
    %get3A_39 = arith.constant 0 : index
    %get3A_40 = vector.load %arg8[%get3A_38, %get3A_39] : memref<1x64xf32, #tpu.memory_space<vmem>>, vector<1x64xf32>
    %reduce_sum3A_41 = arith.constant dense<0.000000e+00> : vector<64xf32>
    %reduce_sum3A_42 = vector.multi_reduction <add>, %convert_element_type3A_29, %reduce_sum3A_41 [0] : vector<1000x64xf32> to vector<64xf32>
    %broadcast_in_dim3A_43 = vector.shape_cast %reduce_sum3A_42 : vector<64xf32> to vector<1x64xf32>
    %add3A_44 = arith.addf %get3A_40, %broadcast_in_dim3A_43 : vector<1x64xf32>
    %swap3A_45 = arith.constant 0 : index
    %swap3A_46 = arith.constant 0 : index
    %swap3A_47 = vector.load %arg8[%swap3A_45, %swap3A_46] : memref<1x64xf32, #tpu.memory_space<vmem>>, vector<1x64xf32>
    tpu.vector_store %arg8[%swap3A_45, %swap3A_46], %add3A_44 {strides = array<i32>} : memref<1x64xf32, #tpu.memory_space<vmem>>, vector<1x64xf32>,
    %eq3A_48 = arith.constant 9 : i32
    %eq3A_49 = arith.cmpi eq, %arg0, %eq3A_48 : i32
    %convert_element_type3A_50 = arith.extui %eq3A_49 : i1 to i32
    %cond3A_51 = arith.constant 0 : i32
    %cond3A_52 = arith.cmpi ne, %convert_element_type3A_50, %cond3A_51 : i32
    scf.if %cond3A_52 {
      %get3A_53 = arith.constant 0 : index
      %get3A_54 = arith.constant 0 : index
      %get3A_55 = vector.load %arg7[%get3A_53, %get3A_54] : memref<1x64xf32, #tpu.memory_space<vmem>>, vector<1x64xf32>
      %get3A_56 = arith.constant 0 : index
      %get3A_57 = arith.constant 0 : index
      %get3A_58 = vector.load %arg8[%get3A_56, %get3A_57] : memref<1x64xf32, #tpu.memory_space<vmem>>, vector<1x64xf32>
      %max3A_59 = arith.constant 1.000000e+00 : f32
      %max3A_60 = vector.broadcast %max3A_59 : f32 to vector<1x64xf32>
      %max3A_61 = arith.maximumf %get3A_58, %max3A_60 : vector<1x64xf32>
      %div3A = arith.divf %get3A_55, %max3A_61 : vector<1x64xf32>
      %get3A_62 = arith.constant 0 : index
      %get3A_63 = arith.constant 0 : index
      %get3A_64 = vector.load %arg5[%get3A_62, %get3A_63] : memref<1x1xf32, #tpu.memory_space<vmem>>, vector<1x1xf32>
      %add3A_65 = vector.broadcast %get3A_64 : vector<1x1xf32> to vector<1x64xf32>
      %add3A_66 = arith.addf %div3A, %add3A_65 : vector<1x64xf32>
      %swap3A_67 = arith.constant 0 : index
      %swap3A_68 = arith.constant 0 : index
      %swap3A_69 = vector.load %arg6[%swap3A_67, %swap3A_68] : memref<1x64xf32, #tpu.memory_space<vmem>>, vector<1x64xf32>
      tpu.vector_store %arg6[%swap3A_67, %swap3A_68], %add3A_66 {strides = array<i32>} : memref<1x64xf32, #tpu.memory_space<vmem>>, vector<1x64xf32>,
    } else {
    }
    return
  }
  func.func @transform_0(%arg0: i32) -> (i32, i32, i32) {
    %c0_i32 = arith.constant 0 : i32
    %c0_i32_0 = arith.constant 0 : i32
    %c0_i32_1 = arith.constant 0 : i32
    return %c0_i32, %arg0, %c0_i32_0 : i32, i32, i32
  }
  func.func @transform_1(%arg0: i32) -> (i32, i32) {
    %c0_i32 = arith.constant 0 : i32
    %c0_i32_0 = arith.constant 0 : i32
    return %arg0, %c0_i32 : i32, i32
  }
  func.func @transform_2(%arg0: i32) -> (i32, i32) {
    %c0_i32 = arith.constant 0 : i32
    %c0_i32_0 = arith.constant 0 : i32
    return %arg0, %c0_i32 : i32, i32
  }
  func.func @transform_3(%arg0: i32) -> (i32, i32) {
    %c0_i32 = arith.constant 0 : i32
    %c0_i32_0 = arith.constant 0 : i32
    %c0_i32_1 = arith.constant 0 : i32
    return %c0_i32, %c0_i32_0 : i32, i32
  }
  func.func @transform_4(%arg0: i32) -> (i32, i32) {
    %c0_i32 = arith.constant 0 : i32
    %c0_i32_0 = arith.constant 0 : i32
    %c0_i32_1 = arith.constant 0 : i32
    return %c0_i32, %c0_i32_0 : i32, i32
  }
  func.func @transform_5(%arg0: i32) -> (i32, i32) {
    %c0_i32 = arith.constant 0 : i32
    %c0_i32_0 = arith.constant 0 : i32
    %c0_i32_1 = arith.constant 0 : i32
    return %c0_i32, %c0_i32_0 : i32, i32
  }
}

</mosaic_0001>

<sc_bundles>
// kernel: kernel.10.cloned.1.call-start
scs
__scs_entry_jumppad:
0x0: {  	(pc) =	sbr.rel $0x88, $3  }
0x1: {  	(tag) =	ssettag $0x0;
	lr =	simm.s32 $0x1  }
0x2: {  	[smem:$0x3F90] =	sst lr;
	_ =	strace $0xD0000000  }
0x3: {  	_ = 	snop  }
0x4: {  	_ = 	snop  }
0x5: {  	_ = 	snop  }
0x6: {  	_ = 	snop  }
0x7: {  	_ = 	snop  }
__scs_overlays_trampoline_lowered:
0x8: {  	[smem:$0x3F9F] =	sst s0  }
0x9: {  	[smem:$0x3FA0] =	sst s1  }
0xa: {  	[smem:$0x3FA1] =	sst s2  }
0xb: {  	[smem:$0x3FA2] =	sst s3  }
0xc: {  	[smem:$0x3FA3] =	sst s4  }
0xd: {  	[smem:$0x3FA4] =	sst s5  }
0xe: {  	[smem:$0x3FA5] =	sst s6  }
0xf: {  	[smem:$0x3FA6] =	sst s7  }
0x10: {  	[smem:$0x3FA7] =	sst s8  }
0x11: {  	[smem:$0x3FA8] =	sst s9;
	s0 =	simm.s32 @!p0 $0x0  }
0x12: {  	s1 =	sld [smem:$0x3F8E];
	s0 =	simm.s32 @p0 $0x1  }
0x13: {  	[smem:$0x3FA9] =	sst s0;
	s0 =	simm.s32 @!p1 $0x0  }
0x14: {  	s2 =	sld [smem:$0x3F8D];
	s0 =	simm.s32 @p1 $0x1  }
0x15: {  	[smem:$0x3FAA] =	sst s0;
	s0 =	simm.s32 @!p2 $0x0  }
0x16: {  	s3 =	sld [smem:$0x3FDB];
	s0 =	simm.s32 @p2 $0x1  }
0x17: {  	s4 =	simm.s32 $0x1BF5;
	[smem:$0x3FAC] =	sst s0  }
0x18: {  	s0 =	sld [smem:$0x3F8F];
	_ =	swait.ge [sflag:s4], $0x0  }
0x19: {  	s7 =	sld [smem:$0x3F90]  }
0x1a: {  	s8 =	sadd.s32 $0xFFFFE003, lr  }
0x1b: {  	s9 =	sadd.s32 $0xFFFFFEF7, lr;
	s5 =	simm.s32 $0xFFFFFFFF;
	p2 =	slt.u32 s8, $0xFFFFF086  }
0x1c: {  	p1 =	slt.u32 s9, $0xF7A;
	s5 =	simm.s32 @!p2 $0x0  }
0x1d: {  	s5 =	simm.s32 @p1 $0x1;
	p0 =	seq.s32 s7, s2  }
0x1e: {  	s7 =	smul.u32 @!p0 $0xF7A, s2;
	p2 =	seq.s32 @!p0 s5, $0x0  }
0x1f: {  	s9 =	smul.u32 $0xF7A, s1;
	s8 =	simm.s32 @!p0 $0x1BF5;
	p2 =	por !p2, p0  }
0x20: {  	[sflag:s8] =	ssyncset.s32 @!p0 $0xFFFFF086;
	s6 =	sadd.s32 @!p0 s3, s7;
	s7 =	simm.s32 @!p0 $0x108  }
0x21: {  	s3 =	sadd.s32 s3, s9;
	s6 =	sadd.s32 @!p0 $0x88, s6;
	s7 =	simm.s32 @p2 $0x1082  }
0x22: {  	[simem:s7], [sflag:s8] =	dma.local @!p0 [hbm:s6], $0xF7A  }
0x23: {  	s9 =	sor.u32 $0xD0000000, s2;
	s6 =	simm.s32 $0x108;
	_ =	swait.ge @!p0 [sflag:s8], $0x0  }
0x24: {  	s3 =	sadd.s32 $0x88, s3;
	s6 =	simm.s32 @!p1 $0x1082;
	[sflag:s4] =	ssyncset.s32 $0xFFFFF086  }
0x25: {  	[simem:s6], [sflag:s4] =	dma.local [hbm:s3], $0xF7A  }
0x26: {  	[smem:$0x3F90] =	sst s1;
	(tag) =	ssettag s2;
	_ =	strace s9  }
0x27: {  	s1 =	sld [smem:$0x3FA0]  }
0x28: {  	s2 =	sld [smem:$0x3FA1]  }
0x29: {  	s4 =	sld [smem:$0x3FA3]  }
0x2a: {  	p0 =	seq.s32 s5, $0x0;
	s5 =	sld [smem:$0x3FA4]  }
0x2b: {  	s6 =	sld [smem:$0x3FA5]  }
0x2c: {  	s7 =	sld [smem:$0x3FA6]  }
0x2d: {  	s3 =	simm.s32 $0x108;
	s8 =	sld [smem:$0x3FA7]  }
0x2e: {  	s3 =	simm.s32 @!p0 $0x1082;
	s9 =	sld [smem:$0x3FA8]  }
0x2f: {  	lr =	sadd.s32 s0, s3;
	s0 =	sld [smem:$0x3F9F]  }
0x30: {  	s3 =	sld [smem:$0x3FA2]  }
0x31: {  	[smem:$0x3FAB] =	sst s10  }
0x32: {  	s10 =	sld [smem:$0x3FA9];
	_ =	sdelay $0x3  }
0x33: {  	p0 =	seq.s32 s10, $0x1;
	s10 =	sld [smem:$0x3FAB];
	_ =	sdelay $0x3  }
0x34: {  	[smem:$0x3FAB] =	sst s10  }
0x35: {  	s10 =	sld [smem:$0x3FAA];
	_ =	sdelay $0x3  }
0x36: {  	p1 =	seq.s32 s10, $0x1;
	s10 =	sld [smem:$0x3FAB];
	_ =	sdelay $0x3  }
0x37: {  	[smem:$0x3FAB] =	sst s10  }
0x38: {  	s10 =	sld [smem:$0x3FAC]  }
0x39: {  	_ = 	snop;
	(pc) =	sbr.ind lr, $3  }
0x3a: {  	_ = 	snop  }
0x3b: {  	_ = 	snop  }
0x3c: {  	p2 =	seq.s32 s10, $0x1;
	s10 =	sld [smem:$0x3FAB]  }
0x3d: {  	_ =	shalt  }
0x3e: {  	_ =	shalt  }
0x3f: {  	_ =	shalt  }
0x40: {  	_ =	shalt  }
0x41: {  	_ =	shalt  }
0x42: {  	_ =	shalt  }
0x43: {  	_ =	shalt  }
0x44: {  	_ =	shalt  }
0x45: {  	_ =	shalt  }
0x46: {  	_ =	shalt  }
0x47: {  	_ =	shalt  }
0x48: {  	_ =	shalt  }
0x49: {  	_ =	shalt  }
0x4a: {  	_ =	shalt  }
0x4b: {  	_ =	shalt  }
0x4c: {  	_ =	shalt  }
0x4d: {  	_ =	shalt  }
0x4e: {  	_ =	shalt  }
0x4f: {  	_ =	shalt  }
0x50: {  	_ =	shalt  }
0x51: {  	_ =	shalt  }
0x52: {  	_ =	shalt  }
0x53: {  	_ =	shalt  }
0x54: {  	_ =	shalt  }
0x55: {  	_ =	shalt  }
0x56: {  	_ =	shalt  }
0x57: {  	_ =	shalt  }
0x58: {  	_ =	shalt  }
0x59: {  	_ =	shalt  }
0x5a: {  	_ =	shalt  }
0x5b: {  	_ =	shalt  }
0x5c: {  	_ =	shalt  }
0x5d: {  	_ =	shalt  }
0x5e: {  	_ =	shalt  }
0x5f: {  	_ =	shalt  }
0x60: {  	_ =	shalt  }
0x61: {  	_ =	shalt  }
0x62: {  	_ =	shalt  }
0x63: {  	_ =	shalt  }
0x64: {  	_ =	shalt  }
0x65: {  	_ =	shalt  }
0x66: {  	_ =	shalt  }
0x67: {  	_ =	shalt  }
0x68: {  	_ =	shalt  }
0x69: {  	_ =	shalt  }
0x6a: {  	_ =	shalt  }
0x6b: {  	_ =	shalt  }
0x6c: {  	_ =	shalt  }
0x6d: {  	_ =	shalt  }
0x6e: {  	_ =	shalt  }
0x6f: {  	_ =	shalt  }
0x70: {  	_ =	shalt  }
0x71: {  	_ =	shalt  }
0x72: {  	_ =	shalt  }
0x73: {  	_ =	shalt  }
0x74: {  	_ =	shalt  }
0x75: {  	_ =	shalt  }
0x76: {  	_ =	shalt  }
0x77: {  	_ =	shalt  }
0x78: {  	_ =	shalt  }
0x79: {  	_ =	shalt  }
0x7a: {  	_ =	shalt  }
0x7b: {  	_ =	shalt  }
0x7c: {  	_ =	shalt  }
0x7d: {  	_ =	shalt  }
0x7e: {  	_ =	shalt  }
0x7f: {  	_ =	shalt  }
0x80: {  	_ =	shalt  }
0x81: {  	_ =	shalt  }
0x82: {  	_ =	shalt  }
0x83: {  	_ =	shalt  }
0x84: {  	_ =	shalt  }
0x85: {  	_ =	shalt  }
0x86: {  	_ =	shalt  }
0x87: {  	_ =	shalt  }
.Lfunc_end0:
.L_simem_size_0:
called_computation_lowered:
.L_overlay_start_0:
0x88: {  	s2 =	sld [smem:$0x3FD9]  }
0x89: {  	s3 =	sld [smem:$0x3FFE];
	_ =	sdelay $0x1  }
0x8a: {  	s1 =	srdreg.scid  }
0x8b: {  	s0 =	sand.u32 $0x1, s1  }
0x8c: {  	s16 =	sshll.u32 s0, $0xA;
	s2 =	sadd.s32 s3, s2  }
0x8d: {  	s2 =	sadd.s32 s2, s16  }
0x8e: {  	[smem:$0x3FB7] =	sst s2  }
0x8f: {  	_ = 	snop  }
0x90: {  	(tm) =	ssettm $0x1  }
0x91: {  	s17 =	sld [smem:$0x3FFB];
	_ =	sdelay $0x3  }
0x92: {  	_ =	strace s17  }
0x93: {  	s2 =	sld [smem:$0x3FFC];
	_ =	sdelay $0x3  }
0x94: {  	_ =	strace s2  }
0x95: {  	s2 =	sld [smem:$0x3FFD];
	_ =	sdelay $0x3  }
0x96: {  	_ =	strace s2  }
0x97: {  	_ =	strace $0x8FFFFFFF  }
0x98: {  	s18 =	sld [smem:$0x3FDB];
	_ =	sdelay $0x1  }
0x99: {  	s19 =	simm.s32 $_scs_section_size  }
0x9a: {  	s4 =	simm.s32 $_size__tile_overlayer_lowered;
	s5 =	simm.s32 $_tile_overlayer_lowered  }
0x9b: {  	s22 =	simm.s32 $0x1BFF;
	s21 =	sshll.u32 s5, $0x1;
	s2 =	sadd.s32 s19, s18  }
0x9c: {  	s6 =	simm.s32 $0x0;
	s20 =	sshll.u32 s4, $0x1;
	s4 =	sadd.s32 s21, s2  }
0x9d: {  	[timem:s6], [sflag:s22] =	dma.local [hbm:s4], s20  }
0x9e: {  	_ =	swait.ge [sflag:s22], s20  }
0x9f: {  	s3 =	ssub.s32 $0x0, s20;
	[sflag:s22] =	ssyncset.done $0x0  }
0xa0: {  	[sflag:s22] =	ssyncadd.s32 s3;
	_ =	sdelay $0x1  }
0xa1: {  	s23 =	simm.s32 $0x1B8B  }
0xa2: {  	_ =	swait.ge [sflag:s23], $0x1  }
0xa3: {  	[sflag:s23] =	ssyncset.done $0x0  }
0xa4: {  	s25 =	simm.s32 $0x1B8E;
	s24 =	sld [smem:$0x3FFE];
	[sflag:s23] =	ssyncadd.s32 $0xFFFFFFFF  }
0xa5: {  	s26 =	simm.s32 $execute0_lowered;
	[smem:$0x3FD2] =	sst s25  }
0xa6: {  	s4 =	sshll.u32 s26, $0x1;
	_ =	strace $0x80000046;
	[dreg:$0x1] =	wrdreg $0xFFFFFFFF  }
0xa7: {  	s28 =	simm.s32 $_size_execute0_lowered;
	s2 =	sadd.s32 s2, s4;
	[dreg:$0x0] =	wrdreg $0x0  }
0xa8: {  	s4 =	sshll.u32 s28, $0x1;
	[dreg:$0x2] =	wrdreg s2  }
0xa9: {  	[dreg:$0x3] =	wrdreg s4  }
0xaa: {  	[dreg:$0x4] =	wrdreg $0xC0  }
0xab: {  	_ =	task [dreg:s6], $0x5FFFF  }
0xac: {  	[dreg:$0x1] =	wrdreg $0xFFFFFFFF  }
0xad: {  	[dreg:$0x0] =	wrdreg $0x60  }
0xae: {  	[dreg:$0x2] =	wrdreg s24  }
0xaf: {  	[dreg:$0x3] =	wrdreg $0x0  }
0xb0: {  	[dreg:$0x4] =	wrdreg $0x9  }
0xb1: {  	_ =	task.clear_ibuf [dreg:s6], $0x5FFFF;
	_ =	strace $0x90000046  }
0xb2: {  	s29 =	simm.s32 $0x9;
	_ =	strace $0x80000048  }
0xb3: {  	_ =	swait.ge [sflag:s29], $0x1  }
0xb4: {  	[sflag:s29] =	ssyncadd.s32 $0xFFFFFFFF  }
0xb5: {  	_ =	strace $0x90000048  }
0xb6: {  	_ =	sfence  }
0xb7: {  	s30 =	sld [smem:$0x0];
	_ =	sdelay $0x2  }
0xb8: {  	s31 =	sshll.u32 s1, $0xD;
	s1 =	sshrl.u32 s1, $0x2  }
0xb9: {  	s3 =	sand.u32 $0x4000, s31;
	s1 =	sadd.s32 s1, s30  }
0xba: {  	s0 =	sor.u32 s3, s0;
	s1 =	sshll.u32 s1, $0x11  }
0xbb: {  	s0 =	sor.u32 s1, s0  }
0xbc: {  	s0 =	sadd.s32 $0x8F2B, s0  }
0xbd: {  	[sflag:s0] =	ssyncadd.remote.s32 $0x1  }
0xbe: {  	_ =	sfence.sel $0xFFFF  }
0xbf: {  	[dreg:$0x0] =	wrdreg $0xFFFFFFFF;
	(pc) =	sbr.abs _section_cstart, $3  }
0xc0: {  	[dreg:$0x1] =	wrdreg $0xFFFFFFFF  }
0xc1: {  	_ =	task.clear_ibuf [dreg:s6], $0x2FFFF;
	_ =	strace $0x9FFFFFFF  }
0xc2: {  	(tm) =	ssettm $0x7FFFFFFF  }
0xc3: {  	_ =	shalt  }
tec
execute0_lowered:
.L_overlay_start_1:
0x0: {  	(tag) =	ssettag $0x1  }
0x1: {  	s9 =	rddreg [dreg:$0x0]  }
0x2: {  	s1 =	rddreg [dreg:$0x1]  }
0x3: {  	s2 =	srdreg.scid;
	s0 =	rddreg [dreg:$0x2];
	s3 =	simm.s32 $0x0  }
0x4: {  	s15 =	simm.s32 $0x13C00;
	s16 =	simm.s32 $0x13C80;
	s17 =	simm.s32 $0x50  }
0x5: {  	s18 =	simm.s32 $0x13D00;
	s19 =	simm.s32 $0x1;
	s20 =	simm.s32 $0x16500  }
0x6: {  	s25 =	simm.s32 $0x0;
	s10 =	sand.u32 $0x1, s2;
	s2 =	stileid.u32  }
0x7: {  	[smem:$0x7FF] =	sst s3;
	s4 =	sadd.s32 $0x17400, s9;
	s5 =	sadd.s32 $0xD600, s9  }
0x8: {  	s6 =	sadd.s32 $0x3800, s9;
	s7 =	sadd.s32 $0x4F9400, s9;
	s8 =	smul.u32 $0x13C000, s10  }
0x9: {  	s11 =	smul.u32 $0x13C00, s2;
	_ =	strace $0x80000047;
	s12 =	ssub.s32 $0x2, s10  }
0xa: {  	s13 =	smul.u32 $0x4F000, s2;
	s28 =	sshll.u32 s10, $0x4;
	s31 =	sshll.u32 s2, $0x6  }
0xb: {  	s26 =	sshrl.u32 s12, $0x1;
	s30 =	sor.u32 s2, s28;
	s8 =	sadd.s32 s11, s8  }
0xc: {  	s12 =	ssub.s32 s12, s26;
	s29 =	sshrl.u32 s13, $0x2;
	s10 =	smul.u32 $0x2710, s30  }
0xd: {  	s11 =	sshrl.u32 s8, $0x3;
	s8 =	sadd.s32 $0x65800, s9;
	s14 =	sadd.s32 s29, s1  }
0xe: {  	s12 =	smax.u32 s12, $0x1;
	s11 =	sadd.s32 s11, s9;
	s9 =	sor.u32 $0x1C02, s31  }
0xf: {  	s13 =	sshrl.u32 s14, $0x3;
	s14 =	simm.s32 $0x2;
	s11 =	sadd.s32 $0x68000, s11  }
.LBB2_1:
0x10: {  	[spmem:s13], [sflag:s9] =	dma.local [hbm:s8], $0x2780  }
0x11: {  	_ =	swait.ge [sflag:s14], $0x2780  }
0x12: {  	[sflag:s14] =	ssyncset.done $0x0  }
0x13: {  	[sflag:s14] =	ssyncadd.s32 $0xFFFFD880  }
0x14: {  	s21 =	simm.s32 $0x0;
	[bflag:$0x0] =	sbarrier.arrive $0xFFFF  }
.LBB2_2:
0x15: {  	s22 =	smul.u32 $0x50, s21;
	_ =	sdelay $0x1  }
0x16: {  	s22 =	sadd.s32 s10, s22  }
0x17: {  	s23 =	sshrl.u32 s22, $0x3  }
0x18: {  	s24 =	sadd.s32 s5, s23  }
0x19: {  	[tilespmem:s15], [sflag:$0x2] =	stream.linear.gather [hbm4b:s24+s25], $0x50, $0x38;
	[tilespmem:$0x18D00] =	vst v63  }
0x1a: {  	_ =	swait.ge [sflag:s14], $0x50  }
0x1b: {  	[sflag:s14] =	ssyncset.done $0x0  }
0x1c: {  	s23 =	sadd.s32 s6, s23;
	[sflag:s14] =	ssyncadd.s32 $0xFFFFFFB0  }
0x1d: {  	[tilespmem:s16], [sflag:$0x2] =	stream.linear.gather [hbm4b:s23+s25], $0x50, $0x38;
	[tilespmem:$0x18D00] =	vst v63  }
0x1e: {  	_ =	swait.ge [sflag:s14], $0x50  }
0x1f: {  	[sflag:s14] =	ssyncset.done $0x0  }
0x20: {  	[sflag:s14] =	ssyncadd.s32 $0xFFFFFFB0  }
0x21: {  	[tilespmem:s18], [sflag:$0x1] =	stream.indirect.gather [hbm4b:s4+s17], $0x80, s15, s17, $0xb8;
	[tilespmem:$0x18D00] =	vst v63  }
0x22: {  	_ =	swait.ge [sflag:s19], $0x2800  }
0x23: {  	s22 =	sshll.u32 s22, $0x4;
	[sflag:s19] =	ssyncset.done $0x0  }
0x24: {  	s22 =	sadd.s32 s7, s22;
	[sflag:s19] =	ssyncadd.s32 $0xFFFFD800  }
0x25: {  	[tilespmem:s20], [sflag:$0x2] =	stream.linear.gather [hbm4b:s22+s25], $0x2800, $0x38;
	[tilespmem:$0x18D00] =	vst v63  }
0x26: {  	_ =	swait.ge [sflag:s14], $0x2800  }
0x27: {  	[sflag:s14] =	ssyncset.done $0x0  }
0x28: {  	s22 =	simm.s32 $0x0;
	[sflag:s14] =	ssyncadd.s32 $0xFFFFD800  }
0x29: {  	v7 =	vld [tilespmem:s22+$0x16500]  }
0x2a: {  	v11 =	vld [tilespmem:s22+$0x16510]  }
0x2b: {  	v5 =	vld [tilespmem:s22+$0x16520]  }
0x2c: {  	v4 =	vld [tilespmem:s22+$0x16530]  }
0x2d: {  	v3 =	vld [tilespmem:s22+$0x16540]  }
0x2e: {  	v2 =	vld [tilespmem:s22+$0x16550]  }
0x2f: {  	v1 =	vld [tilespmem:s22+$0x16560]  }
0x30: {  	v0 =	vld [tilespmem:s22+$0x16570]  }
0x31: {  	v12 =	vld [tilespmem:s22+$0x13D00]  }
0x32: {  	v13 =	vld [tilespmem:s22+$0x13D10]  }
0x33: {  	v10 =	vld [tilespmem:s22+$0x13D20]  }
0x34: {  	v9 =	vld [tilespmem:s22+$0x13D30]  }
0x35: {  	v8 =	vld [tilespmem:s22+$0x13D40]  }
0x36: {  	v6 =	vld [tilespmem:s22+$0x13D50];
	v12 =	vmul.f32 v7, v12  }
0x37: {  	s23 =	simm.s32 $0x200;
	v11 =	vmul.f32 v11, v13;
	v7 =	vld [tilespmem:s22+$0x13D60]  }
.LBB2_3:
0x38: {  	s24 =	sshra.s32 s23, $0x2;
	p0 =	sne.s32 s23, $0x9E00;
	[tilespmem:s22+$0x13D00] =	vst v12;
	v5 =	vmul.f32 v5, v10;
	v10 =	vld [tilespmem:s22+$0x13D70]  }
0x39: {  	v12 =	vld [tilespmem:s24+$0x16500];
	[tilespmem:s22+$0x13D10] =	vst v11;
	v4 =	vmul.f32 v4, v9  }
0x3a: {  	v11 =	vld [tilespmem:s24+$0x16510];
	[tilespmem:s22+$0x13D20] =	vst v5;
	v3 =	vmul.f32 v3, v8  }
0x3b: {  	v5 =	vld [tilespmem:s24+$0x16520];
	[tilespmem:s22+$0x13D30] =	vst v4;
	v2 =	vmul.f32 v2, v6  }
0x3c: {  	v4 =	vld [tilespmem:s24+$0x16530];
	[tilespmem:s22+$0x13D40] =	vst v3;
	v1 =	vmul.f32 v1, v7  }
0x3d: {  	v3 =	vld [tilespmem:s24+$0x16540];
	[tilespmem:s22+$0x13D50] =	vst v2;
	v0 =	vmul.f32 v0, v10  }
0x3e: {  	v2 =	vld [tilespmem:s24+$0x16550];
	[tilespmem:s22+$0x13D60] =	vst v1  }
0x3f: {  	v1 =	vld [tilespmem:s24+$0x16560];
	[tilespmem:s22+$0x13D70] =	vst v0;
	s22 =	smov.u32 s24  }
0x40: {  	v0 =	vld [tilespmem:s22+$0x16570]  }
0x41: {  	v6 =	vld [tilespmem:s22+$0x13D00]  }
0x42: {  	v7 =	vld [tilespmem:s22+$0x13D10]  }
.Ltmp0:
0x43: {  	v10 =	vld [tilespmem:s22+$0x13D20];
	(pc) =	sbr.rel @p0 .LBB2_3-.Ltmp0, $4  }
0x44: {  	v9 =	vld [tilespmem:s22+$0x13D30]  }
0x45: {  	v8 =	vld [tilespmem:s22+$0x13D40]  }
0x46: {  	v12 =	vmul.f32 v12, v6;
	v6 =	vld [tilespmem:s22+$0x13D50]  }
0x47: {  	s23 =	sadd.s32 $0x200, s23;
	v11 =	vmul.f32 v11, v7;
	v7 =	vld [tilespmem:s22+$0x13D60]  }
0x48: {  	[tilespmem:s22+$0x13D00] =	vst v12;
	v5 =	vmul.f32 v5, v10;
	v63 =	vld [tilespmem:s22+$0x13D70]  }
0x49: {  	[tilespmem:s22+$0x13D10] =	vst v11;
	v4 =	vmul.f32 v4, v9  }
0x4a: {  	[tilespmem:s22+$0x13D20] =	vst v5;
	v3 =	vmul.f32 v3, v8  }
0x4b: {  	[tilespmem:s22+$0x13D30] =	vst v4;
	v2 =	vmul.f32 v2, v6  }
0x4c: {  	[tilespmem:s22+$0x13D40] =	vst v3;
	v1 =	vmul.f32 v1, v7  }
0x4d: {  	s21 =	sadd.s32 $0x1, s21;
	[tilespmem:s22+$0x13D50] =	vst v2;
	v0 =	vmul.f32 v0, v63  }
0x4e: {  	p0 =	sne.s32 s21, $0x7D;
	[tilespmem:s22+$0x13D60] =	vst v1  }
.Ltmp1:
0x4f: {  	[tilespmem:s22+$0x13D70] =	vst v0;
	(pc) =	sbr.rel @p0 .LBB2_2-.Ltmp1, $4  }
0x50: {  	[spmem:s1] =	stream.indirect.scatter.add.f32 [tilespmem:s18], [sflag:$0x2], $0x80, s16, s17, $0xb8;
	[tilespmem:$0x18D00] =	vst v63  }
0x51: {  	_ =	swait.ge [sflag:s14], $0x2800  }
0x52: {  	[sflag:s14] =	ssyncset.done $0x0  }
0x53: {  	[sflag:s14] =	ssyncadd.s32 $0xFFFFD800  }
0x54: {  	s3 =	sadd.s32 $0x1, s3  }
0x55: {  	p0 =	sne.s32 s3, s12  }
.Ltmp2:
0x56: {  	[bflag:$0x0] =	sbarrier.arrive $0xFFFF;
	(pc) =	sbr.rel @p0 .LBB2_1-.Ltmp2, $4  }
0x57: {  	[hbm:s11], [sflag:s9] =	dma.local [spmem:s13], $0x2780  }
0x58: {  	_ =	swait.ge [sflag:s14], $0x2780  }
0x59: {  	[sflag:s14] =	ssyncset.done $0x0  }
0x5a: {  	[sflag:s14] =	ssyncadd.s32 $0xFFFFD880  }
0x5b: {  	_ =	sfence.sel $0x180000  }
0x5c: {  	[bflag:$0x0] =	sbarrier.arrive $0xFFFF  }
0x5d: {  	p0 =	sne.s32 s2, $0x0;
	_ =	strace $0x90000047  }
0x5e: {  	s0 =	sadd.s32 @!p0 $0x100000, s0;
	[bflag:$0x2] =	sbarrier.arrive $0xFFFF  }
0x5f: {  	[sflag:s0] =	ssyncadd.tile.s32 @!p0 $0x1;
	_ =	shalt  }
.Lfunc_end2:
_tile_overlayer_lowered:
.L_overlay_start_2:
0x60: {  	(tag) =	ssettag $0x2  }
0x61: {  	s0 =	rddreg [dreg:$0x0];
	s2 =	stileid.u32  }
0x62: {  	s1 =	rddreg [dreg:$0x1];
	p0 =	sne.s32 s2, $0x0  }
0x63: {  	s3 =	rddreg [dreg:$0x2];
	[bflag:$0x3] =	sbarrier.arrive $0xFFFF;
	s2 =	simm.s32 @!p0 $0x1C02  }
0x64: {  	[timem:s3], [sflag:s2] =	dma.local @!p0 [hbm:s0], s1  }
0x65: {  	s0 =	simm.s32 @!p0 $0x2  }
0x66: {  	_ =	swait.ge @!p0 [sflag:s0], s1  }
0x67: {  	s1 =	ssub.s32 @!p0 $0x0, s1;
	[sflag:s0] =	ssyncset.done @!p0 $0x0  }
0x68: {  	[sflag:s0] =	ssyncadd.s32 @!p0 s1  }
0x69: {  	[bflag:$0x3] =	sbarrier.arrive $0xFFFF  }
0x6a: {  	_ =	shalt  }

// kernel: kernel.13.cloned.1.call-start
scs
__scs_entry_jumppad:
0x0: {  	(pc) =	sbr.rel $0x88, $3  }
0x1: {  	(tag) =	ssettag $0x0;
	lr =	simm.s32 $0x1  }
0x2: {  	[smem:$0x3F90] =	sst lr;
	_ =	strace $0xD0000000  }
0x3: {  	_ = 	snop  }
0x4: {  	_ = 	snop  }
0x5: {  	_ = 	snop  }
0x6: {  	_ = 	snop  }
0x7: {  	_ = 	snop  }
__scs_overlays_trampoline_lowered:
0x8: {  	[smem:$0x3F9F] =	sst s0  }
0x9: {  	[smem:$0x3FA0] =	sst s1  }
0xa: {  	[smem:$0x3FA1] =	sst s2  }
0xb: {  	[smem:$0x3FA2] =	sst s3  }
0xc: {  	[smem:$0x3FA3] =	sst s4  }
0xd: {  	[smem:$0x3FA4] =	sst s5  }
0xe: {  	[smem:$0x3FA5] =	sst s6  }
0xf: {  	[smem:$0x3FA6] =	sst s7  }
0x10: {  	[smem:$0x3FA7] =	sst s8  }
0x11: {  	[smem:$0x3FA8] =	sst s9;
	s0 =	simm.s32 @!p0 $0x0  }
0x12: {  	s1 =	sld [smem:$0x3F8E];
	s0 =	simm.s32 @p0 $0x1  }
0x13: {  	[smem:$0x3FA9] =	sst s0;
	s0 =	simm.s32 @!p1 $0x0  }
0x14: {  	s2 =	sld [smem:$0x3F8D];
	s0 =	simm.s32 @p1 $0x1  }
0x15: {  	[smem:$0x3FAA] =	sst s0;
	s0 =	simm.s32 @!p2 $0x0  }
0x16: {  	s3 =	sld [smem:$0x3FDB];
	s0 =	simm.s32 @p2 $0x1  }
0x17: {  	s4 =	simm.s32 $0x1BF5;
	[smem:$0x3FAC] =	sst s0  }
0x18: {  	s0 =	sld [smem:$0x3F8F];
	_ =	swait.ge [sflag:s4], $0x0  }
0x19: {  	s7 =	sld [smem:$0x3F90]  }
0x1a: {  	s8 =	sadd.s32 $0xFFFFE003, lr  }
0x1b: {  	s9 =	sadd.s32 $0xFFFFFEF7, lr;
	s5 =	simm.s32 $0xFFFFFFFF;
	p2 =	slt.u32 s8, $0xFFFFF086  }
0x1c: {  	p1 =	slt.u32 s9, $0xF7A;
	s5 =	simm.s32 @!p2 $0x0  }
0x1d: {  	s5 =	simm.s32 @p1 $0x1;
	p0 =	seq.s32 s7, s2  }
0x1e: {  	s7 =	smul.u32 @!p0 $0xF7A, s2;
	p2 =	seq.s32 @!p0 s5, $0x0  }
0x1f: {  	s9 =	smul.u32 $0xF7A, s1;
	s8 =	simm.s32 @!p0 $0x1BF5;
	p2 =	por !p2, p0  }
0x20: {  	[sflag:s8] =	ssyncset.s32 @!p0 $0xFFFFF086;
	s6 =	sadd.s32 @!p0 s3, s7;
	s7 =	simm.s32 @!p0 $0x108  }
0x21: {  	s3 =	sadd.s32 s3, s9;
	s6 =	sadd.s32 @!p0 $0x88, s6;
	s7 =	simm.s32 @p2 $0x1082  }
0x22: {  	[simem:s7], [sflag:s8] =	dma.local @!p0 [hbm:s6], $0xF7A  }
0x23: {  	s9 =	sor.u32 $0xD0000000, s2;
	s6 =	simm.s32 $0x108;
	_ =	swait.ge @!p0 [sflag:s8], $0x0  }
0x24: {  	s3 =	sadd.s32 $0x88, s3;
	s6 =	simm.s32 @!p1 $0x1082;
	[sflag:s4] =	ssyncset.s32 $0xFFFFF086  }
0x25: {  	[simem:s6], [sflag:s4] =	dma.local [hbm:s3], $0xF7A  }
0x26: {  	[smem:$0x3F90] =	sst s1;
	(tag) =	ssettag s2;
	_ =	strace s9  }
0x27: {  	s1 =	sld [smem:$0x3FA0]  }
0x28: {  	s2 =	sld [smem:$0x3FA1]  }
0x29: {  	s4 =	sld [smem:$0x3FA3]  }
0x2a: {  	p0 =	seq.s32 s5, $0x0;
	s5 =	sld [smem:$0x3FA4]  }
0x2b: {  	s6 =	sld [smem:$0x3FA5]  }
0x2c: {  	s7 =	sld [smem:$0x3FA6]  }
0x2d: {  	s3 =	simm.s32 $0x108;
	s8 =	sld [smem:$0x3FA7]  }
0x2e: {  	s3 =	simm.s32 @!p0 $0x1082;
	s9 =	sld [smem:$0x3FA8]  }
0x2f: {  	lr =	sadd.s32 s0, s3;
	s0 =	sld [smem:$0x3F9F]  }
0x30: {  	s3 =	sld [smem:$0x3FA2]  }
0x31: {  	[smem:$0x3FAB] =	sst s10  }
0x32: {  	s10 =	sld [smem:$0x3FA9];
	_ =	sdelay $0x3  }
0x33: {  	p0 =	seq.s32 s10, $0x1;
	s10 =	sld [smem:$0x3FAB];
	_ =	sdelay $0x3  }
0x34: {  	[smem:$0x3FAB] =	sst s10  }
0x35: {  	s10 =	sld [smem:$0x3FAA];
	_ =	sdelay $0x3  }
0x36: {  	p1 =	seq.s32 s10, $0x1;
	s10 =	sld [smem:$0x3FAB];
	_ =	sdelay $0x3  }
0x37: {  	[smem:$0x3FAB] =	sst s10  }
0x38: {  	s10 =	sld [smem:$0x3FAC]  }
0x39: {  	_ = 	snop;
	(pc) =	sbr.ind lr, $3  }
0x3a: {  	_ = 	snop  }
0x3b: {  	_ = 	snop  }
0x3c: {  	p2 =	seq.s32 s10, $0x1;
	s10 =	sld [smem:$0x3FAB]  }
0x3d: {  	_ =	shalt  }
0x3e: {  	_ =	shalt  }
0x3f: {  	_ =	shalt  }
0x40: {  	_ =	shalt  }
0x41: {  	_ =	shalt  }
0x42: {  	_ =	shalt  }
0x43: {  	_ =	shalt  }
0x44: {  	_ =	shalt  }
0x45: {  	_ =	shalt  }
0x46: {  	_ =	shalt  }
0x47: {  	_ =	shalt  }
0x48: {  	_ =	shalt  }
0x49: {  	_ =	shalt  }
0x4a: {  	_ =	shalt  }
0x4b: {  	_ =	shalt  }
0x4c: {  	_ =	shalt  }
0x4d: {  	_ =	shalt  }
0x4e: {  	_ =	shalt  }
0x4f: {  	_ =	shalt  }
0x50: {  	_ =	shalt  }
0x51: {  	_ =	shalt  }
0x52: {  	_ =	shalt  }
0x53: {  	_ =	shalt  }
0x54: {  	_ =	shalt  }
0x55: {  	_ =	shalt  }
0x56: {  	_ =	shalt  }
0x57: {  	_ =	shalt  }
0x58: {  	_ =	shalt  }
0x59: {  	_ =	shalt  }
0x5a: {  	_ =	shalt  }
0x5b: {  	_ =	shalt  }
0x5c: {  	_ =	shalt  }
0x5d: {  	_ =	shalt  }
0x5e: {  	_ =	shalt  }
0x5f: {  	_ =	shalt  }
0x60: {  	_ =	shalt  }
0x61: {  	_ =	shalt  }
0x62: {  	_ =	shalt  }
0x63: {  	_ =	shalt  }
0x64: {  	_ =	shalt  }
0x65: {  	_ =	shalt  }
0x66: {  	_ =	shalt  }
0x67: {  	_ =	shalt  }
0x68: {  	_ =	shalt  }
0x69: {  	_ =	shalt  }
0x6a: {  	_ =	shalt  }
0x6b: {  	_ =	shalt  }
0x6c: {  	_ =	shalt  }
0x6d: {  	_ =	shalt  }
0x6e: {  	_ =	shalt  }
0x6f: {  	_ =	shalt  }
0x70: {  	_ =	shalt  }
0x71: {  	_ =	shalt  }
0x72: {  	_ =	shalt  }
0x73: {  	_ =	shalt  }
0x74: {  	_ =	shalt  }
0x75: {  	_ =	shalt  }
0x76: {  	_ =	shalt  }
0x77: {  	_ =	shalt  }
0x78: {  	_ =	shalt  }
0x79: {  	_ =	shalt  }
0x7a: {  	_ =	shalt  }
0x7b: {  	_ =	shalt  }
0x7c: {  	_ =	shalt  }
0x7d: {  	_ =	shalt  }
0x7e: {  	_ =	shalt  }
0x7f: {  	_ =	shalt  }
0x80: {  	_ =	shalt  }
0x81: {  	_ =	shalt  }
0x82: {  	_ =	shalt  }
0x83: {  	_ =	shalt  }
0x84: {  	_ =	shalt  }
0x85: {  	_ =	shalt  }
0x86: {  	_ =	shalt  }
0x87: {  	_ =	shalt  }
.Lfunc_end0:
.L_simem_size_0:
called_computation.1_lowered:
.L_overlay_start_0:
0x88: {  	s2 =	sld [smem:$0x3FD9]  }
0x89: {  	s3 =	sld [smem:$0x3FFE];
	_ =	sdelay $0x1  }
0x8a: {  	s1 =	srdreg.scid  }
0x8b: {  	s0 =	sand.u32 $0x1, s1  }
0x8c: {  	s16 =	sshll.u32 s0, $0xA;
	s2 =	sadd.s32 s3, s2  }
0x8d: {  	s2 =	sadd.s32 s2, s16  }
0x8e: {  	[smem:$0x3FB7] =	sst s2  }
0x8f: {  	_ = 	snop  }
0x90: {  	(tm) =	ssettm $0x1  }
0x91: {  	s17 =	sld [smem:$0x3FFB];
	_ =	sdelay $0x3  }
0x92: {  	_ =	strace s17  }
0x93: {  	s2 =	sld [smem:$0x3FFC];
	_ =	sdelay $0x3  }
0x94: {  	_ =	strace s2  }
0x95: {  	s2 =	sld [smem:$0x3FFD];
	_ =	sdelay $0x3  }
0x96: {  	_ =	strace s2  }
0x97: {  	_ =	strace $0x8FFFFFFF  }
0x98: {  	s18 =	sld [smem:$0x3FDB];
	_ =	sdelay $0x1  }
0x99: {  	s19 =	simm.s32 $_scs_section_size  }
0x9a: {  	s4 =	simm.s32 $_size__tile_overlayer_lowered;
	s5 =	simm.s32 $_tile_overlayer_lowered  }
0x9b: {  	s22 =	simm.s32 $0x1BFF;
	s21 =	sshll.u32 s5, $0x1;
	s2 =	sadd.s32 s19, s18  }
0x9c: {  	s6 =	simm.s32 $0x0;
	s20 =	sshll.u32 s4, $0x1;
	s4 =	sadd.s32 s21, s2  }
0x9d: {  	[timem:s6], [sflag:s22] =	dma.local [hbm:s4], s20  }
0x9e: {  	_ =	swait.ge [sflag:s22], s20  }
0x9f: {  	s3 =	ssub.s32 $0x0, s20;
	[sflag:s22] =	ssyncset.done $0x0  }
0xa0: {  	[sflag:s22] =	ssyncadd.s32 s3;
	_ =	sdelay $0x1  }
0xa1: {  	s23 =	simm.s32 $0x1B8B  }
0xa2: {  	_ =	swait.ge [sflag:s23], $0x1  }
0xa3: {  	[sflag:s23] =	ssyncset.done $0x0  }
0xa4: {  	s25 =	simm.s32 $0x1B8E;
	s24 =	sld [smem:$0x3FFE];
	[sflag:s23] =	ssyncadd.s32 $0xFFFFFFFF  }
0xa5: {  	s26 =	simm.s32 $execute0_lowered;
	[smem:$0x3FD2] =	sst s25  }
0xa6: {  	s4 =	sshll.u32 s26, $0x1;
	_ =	strace $0x80000049;
	[dreg:$0x1] =	wrdreg $0xFFFFFFFF  }
0xa7: {  	s28 =	simm.s32 $_size_execute0_lowered;
	s2 =	sadd.s32 s2, s4;
	[dreg:$0x0] =	wrdreg $0x0  }
0xa8: {  	s4 =	sshll.u32 s28, $0x1;
	[dreg:$0x2] =	wrdreg s2  }
0xa9: {  	[dreg:$0x3] =	wrdreg s4  }
0xaa: {  	[dreg:$0x4] =	wrdreg $0xC0  }
0xab: {  	_ =	task [dreg:s6], $0x5FFFF  }
0xac: {  	[dreg:$0x1] =	wrdreg $0xFFFFFFFF  }
0xad: {  	[dreg:$0x0] =	wrdreg $0x60  }
0xae: {  	[dreg:$0x2] =	wrdreg s24  }
0xaf: {  	[dreg:$0x3] =	wrdreg $0x0  }
0xb0: {  	[dreg:$0x4] =	wrdreg $0x9  }
0xb1: {  	_ =	task.clear_ibuf [dreg:s6], $0x5FFFF;
	_ =	strace $0x90000049  }
0xb2: {  	s29 =	simm.s32 $0x9;
	_ =	strace $0x8000004B  }
0xb3: {  	_ =	swait.ge [sflag:s29], $0x1  }
0xb4: {  	[sflag:s29] =	ssyncadd.s32 $0xFFFFFFFF  }
0xb5: {  	_ =	strace $0x9000004B  }
0xb6: {  	_ =	sfence  }
0xb7: {  	s30 =	sld [smem:$0x0];
	_ =	sdelay $0x2  }
0xb8: {  	s31 =	sshll.u32 s1, $0xD;
	s1 =	sshrl.u32 s1, $0x2  }
0xb9: {  	s3 =	sand.u32 $0x4000, s31;
	s1 =	sadd.s32 s1, s30  }
0xba: {  	s0 =	sor.u32 s3, s0;
	s1 =	sshll.u32 s1, $0x11  }
0xbb: {  	s0 =	sor.u32 s1, s0  }
0xbc: {  	s0 =	sadd.s32 $0x8F2B, s0  }
0xbd: {  	[sflag:s0] =	ssyncadd.remote.s32 $0x1  }
0xbe: {  	_ =	sfence.sel $0xFFFF  }
0xbf: {  	[dreg:$0x0] =	wrdreg $0xFFFFFFFF;
	(pc) =	sbr.abs _section_cstart, $3  }
0xc0: {  	[dreg:$0x1] =	wrdreg $0xFFFFFFFF  }
0xc1: {  	_ =	task.clear_ibuf [dreg:s6], $0x2FFFF;
	_ =	strace $0x9FFFFFFF  }
0xc2: {  	(tm) =	ssettm $0x7FFFFFFF  }
0xc3: {  	_ =	shalt  }
tec
execute0_lowered:
.L_overlay_start_1:
0x0: {  	(tag) =	ssettag $0x1  }
0x1: {  	s6 =	rddreg [dreg:$0x0]  }
0x2: {  	s0 =	srdreg.scid;
	s2 =	rddreg [dreg:$0x1]  }
0x3: {  	s1 =	rddreg [dreg:$0x2];
	s7 =	sand.u32 $0x1, s0  }
0x4: {  	s3 =	simm.s32 $0x0;
	s0 =	stileid.u32;
	s4 =	smul.u32 $0x27100, s7  }
0x5: {  	s14 =	simm.s32 $0x13C80;
	s15 =	simm.s32 $0x50;
	s5 =	smul.u32 $0x2710, s0  }
0x6: {  	s16 =	simm.s32 $0x13D00;
	s17 =	simm.s32 $0x1;
	s8 =	smul.u32 $0x13C000, s7  }
0x7: {  	s18 =	simm.s32 $0x0;
	[smem:$0x7FF] =	sst s3;
	s9 =	smul.u32 $0x13C00, s0  }
0x8: {  	_ =	strace $0x8000004A;
	s30 =	smul.u32 $0x4F000, s0;
	s31 =	ssub.s32 $0x2, s7  }
0x9: {  	s11 =	sshll.u32 s0, $0x6;
	s7 =	sshrl.u32 s31, $0x1;
	s5 =	sadd.s32 s5, s4  }
0xa: {  	s4 =	sadd.s32 $0x17400, s6;
	s8 =	sadd.s32 s9, s8;
	s9 =	sshrl.u32 s30, $0x2  }
0xb: {  	s12 =	ssub.s32 s31, s7;
	s5 =	sshrl.u32 s5, $0x3;
	s8 =	sshrl.u32 s8, $0x3  }
0xc: {  	s13 =	sadd.s32 s9, s2;
	s10 =	sadd.s32 s5, s6;
	s5 =	sadd.s32 $0x65800, s6  }
0xd: {  	s8 =	sadd.s32 s8, s6;
	s6 =	sor.u32 $0x1C02, s11;
	s11 =	sshrl.u32 s13, $0x3  }
0xe: {  	s13 =	simm.s32 $0x13C00;
	s7 =	sadd.s32 $0x68000, s8;
	s8 =	smax.u32 s12, $0x1  }
0xf: {  	s9 =	sadd.s32 $0x3800, s10;
	s10 =	sadd.s32 $0xD600, s10;
	s12 =	simm.s32 $0x2  }
.LBB2_1:
0x10: {  	[spmem:s11], [sflag:s6] =	dma.local [hbm:s5], $0x2780  }
0x11: {  	_ =	swait.ge [sflag:s12], $0x2780  }
0x12: {  	[sflag:s12] =	ssyncset.done $0x0  }
0x13: {  	[sflag:s12] =	ssyncadd.s32 $0xFFFFD880  }
0x14: {  	s19 =	sadd.s32 $0x0, s10;
	[bflag:$0x0] =	sbarrier.arrive $0xFFFF  }
0x15: {  	[tilespmem:s13], [sflag:$0x2] =	stream.linear.gather [hbm4b:s19+s3], $0x50, $0x38;
	[tilespmem:$0x16500] =	vst v63  }
0x16: {  	_ =	swait.ge [sflag:s12], $0x50  }
0x17: {  	[sflag:s12] =	ssyncset.done $0x0  }
0x18: {  	s31 =	sadd.s32 $0x0, s9;
	[sflag:s12] =	ssyncadd.s32 $0xFFFFFFB0  }
0x19: {  	[tilespmem:s14], [sflag:$0x2] =	stream.linear.gather [hbm4b:s31+s3], $0x50, $0x38;
	[tilespmem:$0x16500] =	vst v63  }
0x1a: {  	_ =	swait.ge [sflag:s12], $0x50  }
0x1b: {  	[sflag:s12] =	ssyncset.done $0x0  }
0x1c: {  	[sflag:s12] =	ssyncadd.s32 $0xFFFFFFB0  }
0x1d: {  	[tilespmem:s16], [sflag:$0x1] =	stream.indirect.gather [hbm4b:s4+s15], $0x80, s13, s15, $0xb8;
	[tilespmem:$0x16500] =	vst v63  }
0x1e: {  	_ =	swait.ge [sflag:s17], $0x2800  }
0x1f: {  	[sflag:s17] =	ssyncset.done $0x0  }
0x20: {  	[sflag:s17] =	ssyncadd.s32 $0xFFFFD800  }
0x21: {  	[spmem:s2] =	stream.indirect.scatter.add.f32 [tilespmem:s16], [sflag:$0x2], $0x80, s14, s15, $0xb8;
	[tilespmem:$0x16500] =	vst v63  }
0x22: {  	_ =	swait.ge [sflag:s12], $0x2800  }
0x23: {  	s20 =	simm.s32 $0x14;
	s19 =	simm.s32 $0xA;
	[sflag:s12] =	ssyncset.done $0x0  }
.LBB2_2:
0x24: {  	s21 =	sadd.s32 s19, s10  }
0x25: {  	[sflag:s12] =	ssyncadd.s32 $0xFFFFD800;
	s22 =	smov.u32 s20;
	s23 =	sadd.s32 $0xA, s20  }
0x26: {  	[tilespmem:s13], [sflag:$0x2] =	stream.linear.gather [hbm4b:s21+s3], $0x50, $0x38;
	[tilespmem:$0x16500] =	vst v63  }
0x27: {  	p0 =	sne.s32 s20, $0x4D8;
	_ =	swait.ge [sflag:s12], $0x50  }
0x28: {  	[sflag:s12] =	ssyncset.done $0x0  }
0x29: {  	s20 =	sadd.s32 s19, s9;
	s19 =	smov.u32 s22;
	[sflag:s12] =	ssyncadd.s32 $0xFFFFFFB0  }
0x2a: {  	[tilespmem:s14], [sflag:$0x2] =	stream.linear.gather [hbm4b:s20+s3], $0x50, $0x38;
	[tilespmem:$0x16500] =	vst v63  }
0x2b: {  	_ =	swait.ge [sflag:s12], $0x50  }
0x2c: {  	[sflag:s12] =	ssyncset.done $0x0  }
0x2d: {  	[sflag:s12] =	ssyncadd.s32 $0xFFFFFFB0  }
0x2e: {  	[tilespmem:s16], [sflag:$0x1] =	stream.indirect.gather [hbm4b:s4+s15], $0x80, s13, s15, $0xb8;
	[tilespmem:$0x16500] =	vst v63  }
0x2f: {  	_ =	swait.ge [sflag:s17], $0x2800  }
.Ltmp0:
0x30: {  	[sflag:s17] =	ssyncset.done $0x0;
	(pc) =	sbr.rel @p0 .LBB2_2-.Ltmp0, $4  }
0x31: {  	[sflag:s17] =	ssyncadd.s32 $0xFFFFD800  }
0x32: {  	[spmem:s2] =	stream.indirect.scatter.add.f32 [tilespmem:s16], [sflag:$0x2], $0x80, s14, s15, $0xb8;
	[tilespmem:$0x16500] =	vst v63  }
0x33: {  	_ =	swait.ge [sflag:s12], $0x2800  }
0x34: {  	s20 =	smov.u32 s23;
	[sflag:s12] =	ssyncset.done $0x0  }
0x35: {  	s20 =	sadd.s32 s19, s10;
	[sflag:s12] =	ssyncadd.s32 $0xFFFFD800  }
0x36: {  	[tilespmem:s13], [sflag:$0x2] =	stream.linear.gather [hbm4b:s20+s3], $0x50, $0x38;
	[tilespmem:$0x16500] =	vst v63  }
0x37: {  	_ =	swait.ge [sflag:s12], $0x50  }
0x38: {  	[sflag:s12] =	ssyncset.done $0x0  }
0x39: {  	s31 =	sadd.s32 s19, s9;
	[sflag:s12] =	ssyncadd.s32 $0xFFFFFFB0  }
0x3a: {  	[tilespmem:s14], [sflag:$0x2] =	stream.linear.gather [hbm4b:s31+s3], $0x50, $0x38;
	[tilespmem:$0x16500] =	vst v63  }
0x3b: {  	_ =	swait.ge [sflag:s12], $0x50  }
0x3c: {  	[sflag:s12] =	ssyncset.done $0x0  }
0x3d: {  	[sflag:s12] =	ssyncadd.s32 $0xFFFFFFB0  }
0x3e: {  	[tilespmem:s16], [sflag:$0x1] =	stream.indirect.gather [hbm4b:s4+s15], $0x80, s13, s15, $0xb8;
	[tilespmem:$0x16500] =	vst v63  }
0x3f: {  	_ =	swait.ge [sflag:s17], $0x2800  }
0x40: {  	[sflag:s17] =	ssyncset.done $0x0  }
0x41: {  	[sflag:s17] =	ssyncadd.s32 $0xFFFFD800  }
0x42: {  	[spmem:s2] =	stream.indirect.scatter.add.f32 [tilespmem:s16], [sflag:$0x2], $0x80, s14, s15, $0xb8;
	[tilespmem:$0x16500] =	vst v63  }
0x43: {  	_ =	swait.ge [sflag:s12], $0x2800  }
0x44: {  	s18 =	sadd.s32 $0x1, s18;
	[sflag:s12] =	ssyncset.done $0x0  }
0x45: {  	p0 =	sne.s32 s18, s8;
	[sflag:s12] =	ssyncadd.s32 $0xFFFFD800  }
.Ltmp1:
0x46: {  	[bflag:$0x0] =	sbarrier.arrive $0xFFFF;
	(pc) =	sbr.rel @p0 .LBB2_1-.Ltmp1, $4  }
0x47: {  	[hbm:s7], [sflag:s6] =	dma.local [spmem:s11], $0x2780  }
0x48: {  	_ =	swait.ge [sflag:s12], $0x2780  }
0x49: {  	[sflag:s12] =	ssyncset.done $0x0  }
0x4a: {  	[sflag:s12] =	ssyncadd.s32 $0xFFFFD880  }
0x4b: {  	_ =	sfence.sel $0x180000  }
0x4c: {  	[bflag:$0x0] =	sbarrier.arrive $0xFFFF  }
0x4d: {  	p0 =	sne.s32 s0, $0x0;
	_ =	strace $0x9000004A  }
0x4e: {  	s0 =	sadd.s32 @!p0 $0x100000, s1;
	[bflag:$0x2] =	sbarrier.arrive $0xFFFF  }
0x4f: {  	[sflag:s0] =	ssyncadd.tile.s32 @!p0 $0x1;
	_ =	shalt  }
.Lfunc_end2:
_tile_overlayer_lowered:
.L_overlay_start_2:
0x50: {  	(tag) =	ssettag $0x2  }
0x51: {  	s0 =	rddreg [dreg:$0x0];
	s2 =	stileid.u32  }
0x52: {  	s1 =	rddreg [dreg:$0x1];
	p0 =	sne.s32 s2, $0x0  }
0x53: {  	s3 =	rddreg [dreg:$0x2];
	[bflag:$0x3] =	sbarrier.arrive $0xFFFF;
	s2 =	simm.s32 @!p0 $0x1C02  }
0x54: {  	[timem:s3], [sflag:s2] =	dma.local @!p0 [hbm:s0], s1  }
0x55: {  	s0 =	simm.s32 @!p0 $0x2  }
0x56: {  	_ =	swait.ge @!p0 [sflag:s0], s1  }
0x57: {  	s1 =	ssub.s32 @!p0 $0x0, s1;
	[sflag:s0] =	ssyncset.done @!p0 $0x0  }
0x58: {  	[sflag:s0] =	ssyncadd.s32 @!p0 s1  }
0x59: {  	[bflag:$0x3] =	sbarrier.arrive $0xFFFF  }
0x5a: {  	_ =	shalt  }

// kernel: kernel.16.cloned.1.call-start
scs
__scs_entry_jumppad:
0x0: {  	(pc) =	sbr.rel $0x88, $3  }
0x1: {  	(tag) =	ssettag $0x0;
	lr =	simm.s32 $0x1  }
0x2: {  	[smem:$0x3F90] =	sst lr;
	_ =	strace $0xD0000000  }
0x3: {  	_ = 	snop  }
0x4: {  	_ = 	snop  }
0x5: {  	_ = 	snop  }
0x6: {  	_ = 	snop  }
0x7: {  	_ = 	snop  }
__scs_overlays_trampoline_lowered:
0x8: {  	[smem:$0x3F9F] =	sst s0  }
0x9: {  	[smem:$0x3FA0] =	sst s1  }
0xa: {  	[smem:$0x3FA1] =	sst s2  }
0xb: {  	[smem:$0x3FA2] =	sst s3  }
0xc: {  	[smem:$0x3FA3] =	sst s4  }
0xd: {  	[smem:$0x3FA4] =	sst s5  }
0xe: {  	[smem:$0x3FA5] =	sst s6  }
0xf: {  	[smem:$0x3FA6] =	sst s7  }
0x10: {  	[smem:$0x3FA7] =	sst s8  }
0x11: {  	[smem:$0x3FA8] =	sst s9;
	s0 =	simm.s32 @!p0 $0x0  }
0x12: {  	s1 =	sld [smem:$0x3F8E];
	s0 =	simm.s32 @p0 $0x1  }
0x13: {  	[smem:$0x3FA9] =	sst s0;
	s0 =	simm.s32 @!p1 $0x0  }
0x14: {  	s2 =	sld [smem:$0x3F8D];
	s0 =	simm.s32 @p1 $0x1  }
0x15: {  	[smem:$0x3FAA] =	sst s0;
	s0 =	simm.s32 @!p2 $0x0  }
0x16: {  	s3 =	sld [smem:$0x3FDB];
	s0 =	simm.s32 @p2 $0x1  }
0x17: {  	s4 =	simm.s32 $0x1BF5;
	[smem:$0x3FAC] =	sst s0  }
0x18: {  	s0 =	sld [smem:$0x3F8F];
	_ =	swait.ge [sflag:s4], $0x0  }
0x19: {  	s7 =	sld [smem:$0x3F90]  }
0x1a: {  	s8 =	sadd.s32 $0xFFFFE003, lr  }
0x1b: {  	s9 =	sadd.s32 $0xFFFFFEF7, lr;
	s5 =	simm.s32 $0xFFFFFFFF;
	p2 =	slt.u32 s8, $0xFFFFF086  }
0x1c: {  	p1 =	slt.u32 s9, $0xF7A;
	s5 =	simm.s32 @!p2 $0x0  }
0x1d: {  	s5 =	simm.s32 @p1 $0x1;
	p0 =	seq.s32 s7, s2  }
0x1e: {  	s7 =	smul.u32 @!p0 $0xF7A, s2;
	p2 =	seq.s32 @!p0 s5, $0x0  }
0x1f: {  	s9 =	smul.u32 $0xF7A, s1;
	s8 =	simm.s32 @!p0 $0x1BF5;
	p2 =	por !p2, p0  }
0x20: {  	[sflag:s8] =	ssyncset.s32 @!p0 $0xFFFFF086;
	s6 =	sadd.s32 @!p0 s3, s7;
	s7 =	simm.s32 @!p0 $0x108  }
0x21: {  	s3 =	sadd.s32 s3, s9;
	s6 =	sadd.s32 @!p0 $0x88, s6;
	s7 =	simm.s32 @p2 $0x1082  }
0x22: {  	[simem:s7], [sflag:s8] =	dma.local @!p0 [hbm:s6], $0xF7A  }
0x23: {  	s9 =	sor.u32 $0xD0000000, s2;
	s6 =	simm.s32 $0x108;
	_ =	swait.ge @!p0 [sflag:s8], $0x0  }
0x24: {  	s3 =	sadd.s32 $0x88, s3;
	s6 =	simm.s32 @!p1 $0x1082;
	[sflag:s4] =	ssyncset.s32 $0xFFFFF086  }
0x25: {  	[simem:s6], [sflag:s4] =	dma.local [hbm:s3], $0xF7A  }
0x26: {  	[smem:$0x3F90] =	sst s1;
	(tag) =	ssettag s2;
	_ =	strace s9  }
0x27: {  	s1 =	sld [smem:$0x3FA0]  }
0x28: {  	s2 =	sld [smem:$0x3FA1]  }
0x29: {  	s4 =	sld [smem:$0x3FA3]  }
0x2a: {  	p0 =	seq.s32 s5, $0x0;
	s5 =	sld [smem:$0x3FA4]  }
0x2b: {  	s6 =	sld [smem:$0x3FA5]  }
0x2c: {  	s7 =	sld [smem:$0x3FA6]  }
0x2d: {  	s3 =	simm.s32 $0x108;
	s8 =	sld [smem:$0x3FA7]  }
0x2e: {  	s3 =	simm.s32 @!p0 $0x1082;
	s9 =	sld [smem:$0x3FA8]  }
0x2f: {  	lr =	sadd.s32 s0, s3;
	s0 =	sld [smem:$0x3F9F]  }
0x30: {  	s3 =	sld [smem:$0x3FA2]  }
0x31: {  	[smem:$0x3FAB] =	sst s10  }
0x32: {  	s10 =	sld [smem:$0x3FA9];
	_ =	sdelay $0x3  }
0x33: {  	p0 =	seq.s32 s10, $0x1;
	s10 =	sld [smem:$0x3FAB];
	_ =	sdelay $0x3  }
0x34: {  	[smem:$0x3FAB] =	sst s10  }
0x35: {  	s10 =	sld [smem:$0x3FAA];
	_ =	sdelay $0x3  }
0x36: {  	p1 =	seq.s32 s10, $0x1;
	s10 =	sld [smem:$0x3FAB];
	_ =	sdelay $0x3  }
0x37: {  	[smem:$0x3FAB] =	sst s10  }
0x38: {  	s10 =	sld [smem:$0x3FAC]  }
0x39: {  	_ = 	snop;
	(pc) =	sbr.ind lr, $3  }
0x3a: {  	_ = 	snop  }
0x3b: {  	_ = 	snop  }
0x3c: {  	p2 =	seq.s32 s10, $0x1;
	s10 =	sld [smem:$0x3FAB]  }
0x3d: {  	_ =	shalt  }
0x3e: {  	_ =	shalt  }
0x3f: {  	_ =	shalt  }
0x40: {  	_ =	shalt  }
0x41: {  	_ =	shalt  }
0x42: {  	_ =	shalt  }
0x43: {  	_ =	shalt  }
0x44: {  	_ =	shalt  }
0x45: {  	_ =	shalt  }
0x46: {  	_ =	shalt  }
0x47: {  	_ =	shalt  }
0x48: {  	_ =	shalt  }
0x49: {  	_ =	shalt  }
0x4a: {  	_ =	shalt  }
0x4b: {  	_ =	shalt  }
0x4c: {  	_ =	shalt  }
0x4d: {  	_ =	shalt  }
0x4e: {  	_ =	shalt  }
0x4f: {  	_ =	shalt  }
0x50: {  	_ =	shalt  }
0x51: {  	_ =	shalt  }
0x52: {  	_ =	shalt  }
0x53: {  	_ =	shalt  }
0x54: {  	_ =	shalt  }
0x55: {  	_ =	shalt  }
0x56: {  	_ =	shalt  }
0x57: {  	_ =	shalt  }
0x58: {  	_ =	shalt  }
0x59: {  	_ =	shalt  }
0x5a: {  	_ =	shalt  }
0x5b: {  	_ =	shalt  }
0x5c: {  	_ =	shalt  }
0x5d: {  	_ =	shalt  }
0x5e: {  	_ =	shalt  }
0x5f: {  	_ =	shalt  }
0x60: {  	_ =	shalt  }
0x61: {  	_ =	shalt  }
0x62: {  	_ =	shalt  }
0x63: {  	_ =	shalt  }
0x64: {  	_ =	shalt  }
0x65: {  	_ =	shalt  }
0x66: {  	_ =	shalt  }
0x67: {  	_ =	shalt  }
0x68: {  	_ =	shalt  }
0x69: {  	_ =	shalt  }
0x6a: {  	_ =	shalt  }
0x6b: {  	_ =	shalt  }
0x6c: {  	_ =	shalt  }
0x6d: {  	_ =	shalt  }
0x6e: {  	_ =	shalt  }
0x6f: {  	_ =	shalt  }
0x70: {  	_ =	shalt  }
0x71: {  	_ =	shalt  }
0x72: {  	_ =	shalt  }
0x73: {  	_ =	shalt  }
0x74: {  	_ =	shalt  }
0x75: {  	_ =	shalt  }
0x76: {  	_ =	shalt  }
0x77: {  	_ =	shalt  }
0x78: {  	_ =	shalt  }
0x79: {  	_ =	shalt  }
0x7a: {  	_ =	shalt  }
0x7b: {  	_ =	shalt  }
0x7c: {  	_ =	shalt  }
0x7d: {  	_ =	shalt  }
0x7e: {  	_ =	shalt  }
0x7f: {  	_ =	shalt  }
0x80: {  	_ =	shalt  }
0x81: {  	_ =	shalt  }
0x82: {  	_ =	shalt  }
0x83: {  	_ =	shalt  }
0x84: {  	_ =	shalt  }
0x85: {  	_ =	shalt  }
0x86: {  	_ =	shalt  }
0x87: {  	_ =	shalt  }
.Lfunc_end0:
.L_simem_size_0:
called_computation.2_lowered:
.L_overlay_start_0:
0x88: {  	s2 =	sld [smem:$0x3FD9]  }
0x89: {  	s3 =	sld [smem:$0x3FFE];
	_ =	sdelay $0x1  }
0x8a: {  	s1 =	srdreg.scid  }
0x8b: {  	s0 =	sand.u32 $0x1, s1  }
0x8c: {  	s16 =	sshll.u32 s0, $0xA;
	s2 =	sadd.s32 s3, s2  }
0x8d: {  	s2 =	sadd.s32 s2, s16  }
0x8e: {  	[smem:$0x3FB7] =	sst s2  }
0x8f: {  	_ = 	snop  }
0x90: {  	(tm) =	ssettm $0x1  }
0x91: {  	s17 =	sld [smem:$0x3FFB];
	_ =	sdelay $0x3  }
0x92: {  	_ =	strace s17  }
0x93: {  	s2 =	sld [smem:$0x3FFC];
	_ =	sdelay $0x3  }
0x94: {  	_ =	strace s2  }
0x95: {  	s2 =	sld [smem:$0x3FFD];
	_ =	sdelay $0x3  }
0x96: {  	_ =	strace s2  }
0x97: {  	_ =	strace $0x8FFFFFFF  }
0x98: {  	s18 =	sld [smem:$0x3FDB];
	_ =	sdelay $0x1  }
0x99: {  	s19 =	simm.s32 $_scs_section_size  }
0x9a: {  	s4 =	simm.s32 $_size__tile_overlayer_lowered;
	s5 =	simm.s32 $_tile_overlayer_lowered  }
0x9b: {  	s22 =	simm.s32 $0x1BFF;
	s21 =	sshll.u32 s5, $0x1;
	s2 =	sadd.s32 s19, s18  }
0x9c: {  	s6 =	simm.s32 $0x0;
	s20 =	sshll.u32 s4, $0x1;
	s4 =	sadd.s32 s21, s2  }
0x9d: {  	[timem:s6], [sflag:s22] =	dma.local [hbm:s4], s20  }
0x9e: {  	_ =	swait.ge [sflag:s22], s20  }
0x9f: {  	s3 =	ssub.s32 $0x0, s20;
	[sflag:s22] =	ssyncset.done $0x0  }
0xa0: {  	[sflag:s22] =	ssyncadd.s32 s3;
	_ =	sdelay $0x1  }
0xa1: {  	s23 =	simm.s32 $0x1B8B  }
0xa2: {  	_ =	swait.ge [sflag:s23], $0x1  }
0xa3: {  	[sflag:s23] =	ssyncset.done $0x0  }
0xa4: {  	s25 =	simm.s32 $0x1B8E;
	s24 =	sld [smem:$0x3FFE];
	[sflag:s23] =	ssyncadd.s32 $0xFFFFFFFF  }
0xa5: {  	s26 =	simm.s32 $execute0_lowered;
	[smem:$0x3FD2] =	sst s25  }
0xa6: {  	s4 =	sshll.u32 s26, $0x1;
	_ =	strace $0x8000004C;
	[dreg:$0x1] =	wrdreg $0xFFFFFFFF  }
0xa7: {  	s28 =	simm.s32 $_size_execute0_lowered;
	s2 =	sadd.s32 s2, s4;
	[dreg:$0x0] =	wrdreg $0x0  }
0xa8: {  	s4 =	sshll.u32 s28, $0x1;
	[dreg:$0x2] =	wrdreg s2  }
0xa9: {  	[dreg:$0x3] =	wrdreg s4  }
0xaa: {  	[dreg:$0x4] =	wrdreg $0xC0  }
0xab: {  	_ =	task [dreg:s6], $0x5FFFF  }
0xac: {  	[dreg:$0x1] =	wrdreg $0xFFFFFFFF  }
0xad: {  	[dreg:$0x0] =	wrdreg $0x60  }
0xae: {  	[dreg:$0x2] =	wrdreg s24  }
0xaf: {  	[dreg:$0x3] =	wrdreg $0x0  }
0xb0: {  	[dreg:$0x4] =	wrdreg $0x9  }
0xb1: {  	_ =	task.clear_ibuf [dreg:s6], $0x5FFFF;
	_ =	strace $0x9000004C  }
0xb2: {  	s29 =	simm.s32 $0x9;
	_ =	strace $0x8000004E  }
0xb3: {  	_ =	swait.ge [sflag:s29], $0x1  }
0xb4: {  	[sflag:s29] =	ssyncadd.s32 $0xFFFFFFFF  }
0xb5: {  	_ =	strace $0x9000004E  }
0xb6: {  	_ =	sfence  }
0xb7: {  	s30 =	sld [smem:$0x0];
	_ =	sdelay $0x2  }
0xb8: {  	s31 =	sshll.u32 s1, $0xD;
	s1 =	sshrl.u32 s1, $0x2  }
0xb9: {  	s3 =	sand.u32 $0x4000, s31;
	s1 =	sadd.s32 s1, s30  }
0xba: {  	s0 =	sor.u32 s3, s0;
	s1 =	sshll.u32 s1, $0x11  }
0xbb: {  	s0 =	sor.u32 s1, s0  }
0xbc: {  	s0 =	sadd.s32 $0x8F2B, s0  }
0xbd: {  	[sflag:s0] =	ssyncadd.remote.s32 $0x1  }
0xbe: {  	_ =	sfence.sel $0xFFFF  }
0xbf: {  	[dreg:$0x0] =	wrdreg $0xFFFFFFFF;
	(pc) =	sbr.abs _section_cstart, $3  }
0xc0: {  	[dreg:$0x1] =	wrdreg $0xFFFFFFFF  }
0xc1: {  	_ =	task.clear_ibuf [dreg:s6], $0x2FFFF;
	_ =	strace $0x9FFFFFFF  }
0xc2: {  	(tm) =	ssettm $0x7FFFFFFF  }
0xc3: {  	_ =	shalt  }
tec
execute0_lowered:
.L_overlay_start_1:
0x0: {  	(tag) =	ssettag $0x1  }
0x1: {  	s6 =	rddreg [dreg:$0x0]  }
0x2: {  	s0 =	srdreg.scid;
	s2 =	rddreg [dreg:$0x1]  }
0x3: {  	s1 =	rddreg [dreg:$0x2];
	s7 =	sand.u32 $0x1, s0  }
0x4: {  	s3 =	simm.s32 $0x0;
	s0 =	stileid.u32;
	s4 =	smul.u32 $0x27100, s7  }
0x5: {  	s14 =	simm.s32 $0x13C80;
	s15 =	simm.s32 $0x50;
	s5 =	smul.u32 $0x2710, s0  }
0x6: {  	s16 =	simm.s32 $0x13D00;
	s17 =	simm.s32 $0x1;
	s8 =	smul.u32 $0x13C000, s7  }
0x7: {  	s18 =	simm.s32 $0x0;
	[smem:$0x7FF] =	sst s3;
	s9 =	smul.u32 $0x13C00, s0  }
0x8: {  	_ =	strace $0x8000004D;
	s30 =	smul.u32 $0x4F000, s0;
	s31 =	ssub.s32 $0x2, s7  }
0x9: {  	s11 =	sshll.u32 s0, $0x6;
	s7 =	sshrl.u32 s31, $0x1;
	s5 =	sadd.s32 s5, s4  }
0xa: {  	s4 =	sadd.s32 $0x17400, s6;
	s8 =	sadd.s32 s9, s8;
	s9 =	sshrl.u32 s30, $0x2  }
0xb: {  	s12 =	ssub.s32 s31, s7;
	s5 =	sshrl.u32 s5, $0x3;
	s8 =	sshrl.u32 s8, $0x3  }
0xc: {  	s13 =	sadd.s32 s9, s2;
	s10 =	sadd.s32 s5, s6;
	s5 =	sadd.s32 $0x65800, s6  }
0xd: {  	s8 =	sadd.s32 s8, s6;
	s6 =	sor.u32 $0x1C02, s11;
	s11 =	sshrl.u32 s13, $0x3  }
0xe: {  	s13 =	simm.s32 $0x13C00;
	s7 =	sadd.s32 $0x68000, s8;
	s8 =	smax.u32 s12, $0x1  }
0xf: {  	s9 =	sadd.s32 $0x3800, s10;
	s10 =	sadd.s32 $0xD600, s10;
	s12 =	simm.s32 $0x2  }
.LBB2_1:
0x10: {  	[spmem:s11], [sflag:s6] =	dma.local [hbm:s5], $0x2780  }
0x11: {  	_ =	swait.ge [sflag:s12], $0x2780  }
0x12: {  	[sflag:s12] =	ssyncset.done $0x0  }
0x13: {  	[sflag:s12] =	ssyncadd.s32 $0xFFFFD880  }
0x14: {  	s19 =	sadd.s32 $0x0, s10;
	[bflag:$0x0] =	sbarrier.arrive $0xFFFF  }
0x15: {  	[tilespmem:s13], [sflag:$0x2] =	stream.linear.gather [hbm4b:s19+s3], $0x50, $0x38;
	[tilespmem:$0x16500] =	vst v63  }
0x16: {  	_ =	swait.ge [sflag:s12], $0x50  }
0x17: {  	[sflag:s12] =	ssyncset.done $0x0  }
0x18: {  	s31 =	sadd.s32 $0x0, s9;
	[sflag:s12] =	ssyncadd.s32 $0xFFFFFFB0  }
0x19: {  	[tilespmem:s14], [sflag:$0x2] =	stream.linear.gather [hbm4b:s31+s3], $0x50, $0x38;
	[tilespmem:$0x16500] =	vst v63  }
0x1a: {  	_ =	swait.ge [sflag:s12], $0x50  }
0x1b: {  	[sflag:s12] =	ssyncset.done $0x0  }
0x1c: {  	[sflag:s12] =	ssyncadd.s32 $0xFFFFFFB0  }
0x1d: {  	[tilespmem:s16], [sflag:$0x1] =	stream.indirect.gather [hbm4b:s4+s15], $0x80, s13, s15, $0xb8;
	[tilespmem:$0x16500] =	vst v63  }
0x1e: {  	_ =	swait.ge [sflag:s17], $0x2800  }
0x1f: {  	[sflag:s17] =	ssyncset.done $0x0  }
0x20: {  	[sflag:s17] =	ssyncadd.s32 $0xFFFFD800  }
0x21: {  	[spmem:s2] =	stream.indirect.scatter.add.f32 [tilespmem:s16], [sflag:$0x2], $0x80, s14, s15, $0xb8;
	[tilespmem:$0x16500] =	vst v63  }
0x22: {  	_ =	swait.ge [sflag:s12], $0x2800  }
0x23: {  	s20 =	simm.s32 $0x14;
	s19 =	simm.s32 $0xA;
	[sflag:s12] =	ssyncset.done $0x0  }
.LBB2_2:
0x24: {  	s21 =	sadd.s32 s19, s10  }
0x25: {  	[sflag:s12] =	ssyncadd.s32 $0xFFFFD800;
	s22 =	smov.u32 s20;
	s23 =	sadd.s32 $0xA, s20  }
0x26: {  	[tilespmem:s13], [sflag:$0x2] =	stream.linear.gather [hbm4b:s21+s3], $0x50, $0x38;
	[tilespmem:$0x16500] =	vst v63  }
0x27: {  	p0 =	sne.s32 s20, $0x4D8;
	_ =	swait.ge [sflag:s12], $0x50  }
0x28: {  	[sflag:s12] =	ssyncset.done $0x0  }
0x29: {  	s20 =	sadd.s32 s19, s9;
	s19 =	smov.u32 s22;
	[sflag:s12] =	ssyncadd.s32 $0xFFFFFFB0  }
0x2a: {  	[tilespmem:s14], [sflag:$0x2] =	stream.linear.gather [hbm4b:s20+s3], $0x50, $0x38;
	[tilespmem:$0x16500] =	vst v63  }
0x2b: {  	_ =	swait.ge [sflag:s12], $0x50  }
0x2c: {  	[sflag:s12] =	ssyncset.done $0x0  }
0x2d: {  	[sflag:s12] =	ssyncadd.s32 $0xFFFFFFB0  }
0x2e: {  	[tilespmem:s16], [sflag:$0x1] =	stream.indirect.gather [hbm4b:s4+s15], $0x80, s13, s15, $0xb8;
	[tilespmem:$0x16500] =	vst v63  }
0x2f: {  	_ =	swait.ge [sflag:s17], $0x2800  }
.Ltmp0:
0x30: {  	[sflag:s17] =	ssyncset.done $0x0;
	(pc) =	sbr.rel @p0 .LBB2_2-.Ltmp0, $4  }
0x31: {  	[sflag:s17] =	ssyncadd.s32 $0xFFFFD800  }
0x32: {  	[spmem:s2] =	stream.indirect.scatter.add.f32 [tilespmem:s16], [sflag:$0x2], $0x80, s14, s15, $0xb8;
	[tilespmem:$0x16500] =	vst v63  }
0x33: {  	_ =	swait.ge [sflag:s12], $0x2800  }
0x34: {  	s20 =	smov.u32 s23;
	[sflag:s12] =	ssyncset.done $0x0  }
0x35: {  	s20 =	sadd.s32 s19, s10;
	[sflag:s12] =	ssyncadd.s32 $0xFFFFD800  }
0x36: {  	[tilespmem:s13], [sflag:$0x2] =	stream.linear.gather [hbm4b:s20+s3], $0x50, $0x38;
	[tilespmem:$0x16500] =	vst v63  }
0x37: {  	_ =	swait.ge [sflag:s12], $0x50  }
0x38: {  	[sflag:s12] =	ssyncset.done $0x0  }
0x39: {  	s31 =	sadd.s32 s19, s9;
	[sflag:s12] =	ssyncadd.s32 $0xFFFFFFB0  }
0x3a: {  	[tilespmem:s14], [sflag:$0x2] =	stream.linear.gather [hbm4b:s31+s3], $0x50, $0x38;
	[tilespmem:$0x16500] =	vst v63  }
0x3b: {  	_ =	swait.ge [sflag:s12], $0x50  }
0x3c: {  	[sflag:s12] =	ssyncset.done $0x0  }
0x3d: {  	[sflag:s12] =	ssyncadd.s32 $0xFFFFFFB0  }
0x3e: {  	[tilespmem:s16], [sflag:$0x1] =	stream.indirect.gather [hbm4b:s4+s15], $0x80, s13, s15, $0xb8;
	[tilespmem:$0x16500] =	vst v63  }
0x3f: {  	_ =	swait.ge [sflag:s17], $0x2800  }
0x40: {  	[sflag:s17] =	ssyncset.done $0x0  }
0x41: {  	[sflag:s17] =	ssyncadd.s32 $0xFFFFD800  }
0x42: {  	[spmem:s2] =	stream.indirect.scatter.add.f32 [tilespmem:s16], [sflag:$0x2], $0x80, s14, s15, $0xb8;
	[tilespmem:$0x16500] =	vst v63  }
0x43: {  	_ =	swait.ge [sflag:s12], $0x2800  }
0x44: {  	s18 =	sadd.s32 $0x1, s18;
	[sflag:s12] =	ssyncset.done $0x0  }
0x45: {  	p0 =	sne.s32 s18, s8;
	[sflag:s12] =	ssyncadd.s32 $0xFFFFD800  }
.Ltmp1:
0x46: {  	[bflag:$0x0] =	sbarrier.arrive $0xFFFF;
	(pc) =	sbr.rel @p0 .LBB2_1-.Ltmp1, $4  }
0x47: {  	[hbm:s7], [sflag:s6] =	dma.local [spmem:s11], $0x2780  }
0x48: {  	_ =	swait.ge [sflag:s12], $0x2780  }
0x49: {  	[sflag:s12] =	ssyncset.done $0x0  }
0x4a: {  	[sflag:s12] =	ssyncadd.s32 $0xFFFFD880  }
0x4b: {  	_ =	sfence.sel $0x180000  }
0x4c: {  	[bflag:$0x0] =	sbarrier.arrive $0xFFFF  }
0x4d: {  	p0 =	sne.s32 s0, $0x0;
	_ =	strace $0x9000004D  }
0x4e: {  	s0 =	sadd.s32 @!p0 $0x100000, s1;
	[bflag:$0x2] =	sbarrier.arrive $0xFFFF  }
0x4f: {  	[sflag:s0] =	ssyncadd.tile.s32 @!p0 $0x1;
	_ =	shalt  }
.Lfunc_end2:
_tile_overlayer_lowered:
.L_overlay_start_2:
0x50: {  	(tag) =	ssettag $0x2  }
0x51: {  	s0 =	rddreg [dreg:$0x0];
	s2 =	stileid.u32  }
0x52: {  	s1 =	rddreg [dreg:$0x1];
	p0 =	sne.s32 s2, $0x0  }
0x53: {  	s3 =	rddreg [dreg:$0x2];
	[bflag:$0x3] =	sbarrier.arrive $0xFFFF;
	s2 =	simm.s32 @!p0 $0x1C02  }
0x54: {  	[timem:s3], [sflag:s2] =	dma.local @!p0 [hbm:s0], s1  }
0x55: {  	s0 =	simm.s32 @!p0 $0x2  }
0x56: {  	_ =	swait.ge @!p0 [sflag:s0], s1  }
0x57: {  	s1 =	ssub.s32 @!p0 $0x0, s1;
	[sflag:s0] =	ssyncset.done @!p0 $0x0  }
0x58: {  	[sflag:s0] =	ssyncadd.s32 @!p0 s1  }
0x59: {  	[bflag:$0x3] =	sbarrier.arrive $0xFFFF  }
0x5a: {  	_ =	shalt  }

</sc_bundles>
